<compile_context>
chip_gen: v7x
topology: tpu7x:2x2x1
jax: 0.10.2.dev20260603
libtpu: 0.0.44.dev20260713+nightly
codegen_flags: <defaults>
</compile_context>

<pallas_src>
import numpy as np
import jax
import jax.numpy as jnp
from jax import lax
from jax.experimental import pallas as pl
from jax.experimental.pallas import tpu as pltpu

BS, N, DX, DE, STEPS = 32, 64, 16, 5, 50
CH = 16
EW = N * DE
XROWS, XW = 8, 128
TINY = np.float32(1.1754943508222875e-38)
NEG = np.float32(-np.inf)

_M = 0xFFFFFFFF


def _np_rotl(x, r):
    return ((x << r) | (x >> (32 - r))) & _M


def _np_block(k1, k2, x0, x1):
    ks = (k1, k2, (k1 ^ k2 ^ 0x1BD11BDA) & _M)
    rots = ((13, 15, 26, 6), (17, 29, 16, 24))
    x0 = (x0 + ks[0]) & _M
    x1 = (x1 + ks[1]) & _M
    for i in range(5):
        for r in rots[i % 2]:
            x0 = (x0 + x1) & _M
            x1 = _np_rotl(x1, r) ^ x0
        x0 = (x0 + ks[(i + 1) % 3]) & _M
        x1 = (x1 + ks[(i + 2) % 3] + i + 1) & _M
    return x0, x1


def _np_keys():
    out = np.zeros((STEPS, 4), dtype=np.uint32)
    for k in range(STEPS):
        o0, o1 = _np_block(0, 1, 0, k)
        a0, b0 = _np_block(o0, o1, 0, 0)
        a1, b1 = _np_block(o0, o1, 0, 1)
        out[k] = (a0, b0, a1, b1)
    return out.view(np.int32)


_KEYS = _np_keys()


def _i32(v):
    return jnp.int32(v)


def _tf_bits(k1, k2, idx):
    ks2 = k1 ^ k2 ^ _i32(0x1BD11BDA)
    ks = (k1, k2, ks2)
    rots = ((13, 15, 26, 6), (17, 29, 16, 24))
    x0 = jnp.zeros_like(idx) + k1
    x1 = idx + k2
    for i in range(5):
        for r in rots[i % 2]:
            x0 = x0 + x1
            x1 = (lax.shift_left(x1, _i32(r))
                  | lax.shift_right_logical(x1, _i32(32 - r))) ^ x0
        x0 = x0 + ks[(i + 1) % 3]
        x1 = x1 + ks[(i + 2) % 3] + _i32(i + 1)
    return x0 ^ x1


def _gumbel(bits):
    fb = lax.shift_right_logical(bits, _i32(9)) | _i32(0x3F800000)
    f = lax.bitcast_convert_type(fb, jnp.float32) - jnp.float32(1.0)
    u = jnp.maximum(f, TINY)
    return -jnp.log(-jnp.log(u))


def _winner(z, group):
    cm = lax.broadcasted_iota(jnp.int32, z.shape, z.ndim - 1) % group
    mp = z
    s = 1
    while s < group:
        mp = jnp.maximum(mp, jnp.where(cm >= s, jnp.roll(mp, s, axis=-1), NEG))
        s *= 2
    ep = jnp.where(cm >= 1, jnp.roll(mp, 1, axis=-1), NEG)
    ms = z
    s = 1
    while s < group:
        ms = jnp.maximum(ms, jnp.where(cm < group - s,
                                       jnp.roll(ms, -s, axis=-1), NEG))
        s *= 2
    es = jnp.where(cm <= group - 2, jnp.roll(ms, -1, axis=-1), NEG)
    return (z > ep) & (z >= es)


def _body(xin, ein, keys, gam, limx, lime,
          totx, tote, outx, oute, stx, ste):
    k = pl.program_id(1)
    b0 = pl.program_id(0) * CH

    @pl.when(k == 0)
    def _():
        stx[...] = xin[...]
        ste[...] = ein[...]

    sx = stx[...]
    se = ste[...]
    outx[:, 0] = sx
    oute[:, 0] = se

    g = gam[0, 0, 0]
    omg = jnp.float32(1.0) - g
    kx1, kx2 = keys[0, 0, 0], keys[0, 0, 1]
    ke1, ke2 = keys[0, 0, 2], keys[0, 0, 3]

    px = jnp.clip(sx * omg + limx[...] * g, 0.0, 1.0)
    bb = lax.broadcasted_iota(jnp.int32, sx.shape, 0)
    rr = lax.broadcasted_iota(jnp.int32, sx.shape, 1)
    ll = lax.broadcasted_iota(jnp.int32, sx.shape, 2)
    idx = (b0 + bb) * _i32(N * DX) + rr * _i32(XW) + ll
    zx = _gumbel(_tf_bits(kx1, kx2, idx)) + jnp.log(px)
    ohx = jnp.where(_winner(zx, DX), jnp.float32(1.0), jnp.float32(0.0))
    stx[...] = ohx
    totx[:, 0] = ohx

    pe = jnp.clip(se * omg + lime[...] * g, 0.0, 1.0)
    be = lax.broadcasted_iota(jnp.int32, se.shape, 0)
    ie = lax.broadcasted_iota(jnp.int32, se.shape, 1)
    le = lax.broadcasted_iota(jnp.int32, se.shape, 2)
    je = le // _i32(DE)
    ce = le - je * _i32(DE)
    jm = jnp.minimum(ie, je)
    jx = jnp.maximum(ie, je)
    idxe = (b0 + be) * _i32(N * N * DE) + (jm * _i32(N) + jx) * _i32(DE) + ce
    ze = _gumbel(_tf_bits(ke1, ke2, idxe)) + jnp.log(pe)
    we = _winner(ze, DE)
    diag = ie == je
    ohe = jnp.where(diag, jnp.where(ce == 0, jnp.float32(1.0), jnp.float32(0.0)),
                    jnp.where(we, jnp.float32(1.0), jnp.float32(0.0)))
    ste[...] = ohe
    tote[:, 0] = ohe


def kernel(X, E, node_mask, limit_X, limit_E, gammas):
    del node_mask
    xr = X.reshape(BS, XROWS, XW)
    er = E.reshape(BS, N, EW)
    keys = jnp.asarray(_KEYS).reshape(STEPS, 1, 4)
    gam = gammas.reshape(STEPS, 1, 1)
    limx = jnp.tile(limit_X, XW // DX).reshape(1, 1, XW)
    lime = jnp.tile(limit_E, N).reshape(1, 1, EW)

    grid = (BS // CH, STEPS)
    f32 = jnp.float32
    totx, tote, outx, oute = pl.pallas_call(
        _body,
        grid=grid,
        in_specs=[
            pl.BlockSpec((CH, XROWS, XW), lambda c, k: (c, 0, 0)),
            pl.BlockSpec((CH, N, EW), lambda c, k: (c, 0, 0)),
            pl.BlockSpec((1, 1, 4), lambda c, k: (k, 0, 0), memory_space=pltpu.SMEM),
            pl.BlockSpec((1, 1, 1), lambda c, k: (k, 0, 0), memory_space=pltpu.SMEM),
            pl.BlockSpec((1, 1, XW), lambda c, k: (0, 0, 0)),
            pl.BlockSpec((1, 1, EW), lambda c, k: (0, 0, 0)),
        ],
        out_specs=[
            pl.BlockSpec((CH, 1, XROWS, XW), lambda c, k: (c, k, 0, 0)),
            pl.BlockSpec((CH, 1, N, EW), lambda c, k: (c, k, 0, 0)),
            pl.BlockSpec((CH, 1, XROWS, XW), lambda c, k: (c, k, 0, 0)),
            pl.BlockSpec((CH, 1, N, EW), lambda c, k: (c, k, 0, 0)),
        ],
        out_shape=[
            jax.ShapeDtypeStruct((BS, STEPS, XROWS, XW), f32),
            jax.ShapeDtypeStruct((BS, STEPS, N, EW), f32),
            jax.ShapeDtypeStruct((BS, STEPS, XROWS, XW), f32),
            jax.ShapeDtypeStruct((BS, STEPS, N, EW), f32),
        ],
        scratch_shapes=[
            pltpu.VMEM((CH, XROWS, XW), f32),
            pltpu.VMEM((CH, N, EW), f32),
        ],
    )(xr, er, keys, gam, limx, lime)

    x_tot_X = totx.reshape(BS, STEPS, N, DX)
    x_tot_E = tote.reshape(BS, STEPS, N, N, DE)
    out_X = outx.reshape(BS, STEPS, N, DX)
    out_E = oute.reshape(BS, STEPS, N, N, DE)
    times = jnp.cumsum(gammas)
    times_expanded = jnp.broadcast_to(times.reshape(1, STEPS, 1), (BS, STEPS, 1))
    gammas_expanded = jnp.broadcast_to(gammas.reshape(1, STEPS, 1), (BS, STEPS, 1))
    return (x_tot_X, x_tot_E, out_X, out_E, gammas_expanded, times_expanded)

# --- scband reference (transcript-rebuilt; emitter-appended) ---
"""Pipeline reference for scband-langevin-18605798326747 (READ-ONLY COPY).

The authoritative reference and input builder live on the scoring server;
editing this copy changes nothing except your own understanding.
"""

import jax, jax.numpy as jnp
import numpy as np

BS = 32
N = 64
DX = 16
DE = 5
STEPS = 50
NOISE_LEVEL = 1.0


def _mask(X, E, node_mask):
    xm = node_mask[..., None].astype(X.dtype)
    e1 = node_mask[:, :, None, None].astype(E.dtype)
    e2 = node_mask[:, None, :, None].astype(E.dtype)
    return X * xm, E * e1 * e2


def _sample_onehot(key, pX, pE, node_mask):
    kx, ke = jax.random.split(key)
    pXn = pX / jnp.clip(pX.sum(-1, keepdims=True), 1e-12, None)
    pEn = pE / jnp.clip(pE.sum(-1, keepdims=True), 1e-12, None)
    ix = jax.random.categorical(kx, jnp.log(pXn + 1e-30), axis=-1)
    Xs = jax.nn.one_hot(ix, pX.shape[-1], dtype=jnp.float32)
    ie = jax.random.categorical(ke, jnp.log(pEn + 1e-30), axis=-1)
    iu = jnp.triu(ie, k=1)
    ie_sym = iu + jnp.swapaxes(iu, 1, 2)
    Es = jax.nn.one_hot(ie_sym, pE.shape[-1], dtype=jnp.float32)
    return _mask(Xs, Es, node_mask)


def setup_inputs(seed: int = 0) -> dict:
    key = jax.random.key(seed)
    k0, k1, k2, k3, k4 = jax.random.split(key, 5)
    X = jax.random.uniform(k0, (BS, N, DX), dtype=jnp.float32)
    X = X / X.sum(-1, keepdims=True)
    E = jax.random.uniform(k1, (BS, N, N, DE), dtype=jnp.float32)
    E = 0.5 * (E + jnp.swapaxes(E, 1, 2))
    E = E / E.sum(-1, keepdims=True)
    node_mask = jnp.ones((BS, N), dtype=bool)
    limit_X = jax.random.uniform(k2, (DX,), dtype=jnp.float32)
    limit_X = limit_X / limit_X.sum()
    limit_E = jax.random.uniform(k3, (DE,), dtype=jnp.float32)
    limit_E = limit_E / limit_E.sum()
    gammas = jax.random.uniform(k4, (STEPS,), dtype=jnp.float32) * 0.04 + 0.001
    return {"X": X, "E": E, "node_mask": node_mask, "limit_X": limit_X, "limit_E": limit_E, "gammas": gammas}


def reference(X, E, node_mask, limit_X, limit_E, gammas):
    # Faithful translation of Langevin.record_init_langevin:
    # x_k <- clamp((1 - g*nl)*x_k + (g*nl)*noise, 0, 1); x_k <- onehot sample; record trajectories.
    base = jax.random.key(1)
    Xm, Em = _mask(X, E, node_mask)
    nX = jnp.broadcast_to(limit_X, Xm.shape)
    nE = jnp.broadcast_to(limit_E, Em.shape)
    nX, nE = _mask(nX, nE, node_mask)
    xk_X, xk_E = Xm, Em
    outX, outE, totX, totE = [], [], [], []
    for k in range(STEPS):
        outX.append(xk_X)
        outE.append(xk_E)
        g = gammas[k] * NOISE_LEVEL
        xk_X = jnp.clip(xk_X * (1.0 - g) + nX * g, 0.0, 1.0)
        xk_E = jnp.clip(xk_E * (1.0 - g) + nE * g, 0.0, 1.0)
        xk_X, xk_E = _sample_onehot(jax.random.fold_in(base, k), xk_X, xk_E, node_mask)
        totX.append(xk_X)
        totE.append(xk_E)
    x_tot_X = jnp.stack(totX, 1)
    x_tot_E = jnp.stack(totE, 1)
    out_X = jnp.stack(outX, 1)
    out_E = jnp.stack(outE, 1)
    times = jnp.cumsum(gammas)
    times_expanded = jnp.broadcast_to(times.reshape(1, STEPS, 1), (BS, STEPS, 1))
    gammas_expanded = jnp.broadcast_to(gammas.reshape(1, STEPS, 1), (BS, STEPS, 1))
    return (x_tot_X, x_tot_E, out_X, out_E, gammas_expanded, times_expanded)

if __name__ == "__main__":
    import jax
    _d = setup_inputs()
    print(jax.jit(kernel)(*tuple(_d.values())))

</pallas_src>

<mosaic_0001>
module attributes {stable_mosaic.version = 14 : i64} {
  func.func @_body(%arg0: i32, %arg1: i32, %arg2: memref<16x8x128xf32, #tpu.memory_space<vmem>>, %arg3: memref<16x64x320xf32, #tpu.memory_space<vmem>>, %arg4: memref<1x1x4xi32, #tpu.memory_space<smem>>, %arg5: memref<1x1x1xf32, #tpu.memory_space<smem>>, %arg6: memref<1x1x128xf32, #tpu.memory_space<vmem>>, %arg7: memref<1x1x320xf32, #tpu.memory_space<vmem>>, %arg8: memref<16x1x8x128xf32, #tpu.memory_space<vmem>>, %arg9: memref<16x1x64x320xf32, #tpu.memory_space<vmem>>, %arg10: memref<16x1x8x128xf32, #tpu.memory_space<vmem>>, %arg11: memref<16x1x64x320xf32, #tpu.memory_space<vmem>>, %arg12: memref<16x8x128xf32, #tpu.memory_space<vmem>>, %arg13: memref<16x64x320xf32, #tpu.memory_space<vmem>>) attributes {dimension_semantics = [#tpu.dimension_semantics<arbitrary>, #tpu.dimension_semantics<arbitrary>], iteration_bounds = array<i64: 2, 50>, scalar_prefetch = 0 : i64, scratch_operands = 2 : i64, tpu.core_type = #tpu.core_type<tc>, window_params = [{transform_indices = @transform_0, window_bounds = array<i64: 16, 8, 128>}, {transform_indices = @transform_1, window_bounds = array<i64: 16, 64, 320>}, {transform_indices = @transform_2, window_bounds = array<i64: 1, 1, 4>}, {transform_indices = @transform_3, window_bounds = array<i64: 1, 1, 1>}, {pipeline_mode = #tpu.pipeline_mode<synchronous>, transform_indices = @transform_4, window_bounds = array<i64: 1, 1, 128>}, {pipeline_mode = #tpu.pipeline_mode<synchronous>, transform_indices = @transform_5, window_bounds = array<i64: 1, 1, 320>}, {transform_indices = @transform_6, window_bounds = array<i64: 16, 1, 8, 128>}, {transform_indices = @transform_7, window_bounds = array<i64: 16, 1, 64, 320>}, {transform_indices = @transform_8, window_bounds = array<i64: 16, 1, 8, 128>}, {transform_indices = @transform_9, window_bounds = array<i64: 16, 1, 64, 320>}]} {
    %mul3A = arith.constant 16 : i32
    %mul3A_0 = arith.muli %arg0, %mul3A : i32
    %eq3A = arith.constant 0 : i32
    %eq3A_1 = arith.cmpi eq, %arg1, %eq3A : i32
    %convert_element_type3A = arith.extui %eq3A_1 : i1 to i32
    %cond3A = arith.constant 0 : i32
    %cond3A_2 = arith.cmpi ne, %convert_element_type3A, %cond3A : i32
    scf.if %cond3A_2 {
      %get3A_884 = arith.constant 0 : index
      %get3A_885 = arith.constant 0 : index
      %get3A_886 = arith.constant 0 : index
      %get3A_887 = vector.load %arg2[%get3A_884, %get3A_885, %get3A_886] : memref<16x8x128xf32, #tpu.memory_space<vmem>>, vector<16x8x128xf32>
      %swap3A_888 = arith.constant 0 : index
      %swap3A_889 = arith.constant 0 : index
      %swap3A_890 = arith.constant 0 : index
      %swap3A_891 = vector.load %arg12[%swap3A_888, %swap3A_889, %swap3A_890] : memref<16x8x128xf32, #tpu.memory_space<vmem>>, vector<16x8x128xf32>
      tpu.vector_store %arg12[%swap3A_888, %swap3A_889, %swap3A_890], %get3A_887 {strides = array<i32>} : memref<16x8x128xf32, #tpu.memory_space<vmem>>, vector<16x8x128xf32>,
      %get3A_892 = arith.constant 0 : index
      %get3A_893 = arith.constant 0 : index
      %get3A_894 = arith.constant 0 : index
      %get3A_895 = vector.load %arg3[%get3A_892, %get3A_893, %get3A_894] : memref<16x64x320xf32, #tpu.memory_space<vmem>>, vector<16x64x320xf32>
      %swap3A_896 = arith.constant 0 : index
      %swap3A_897 = arith.constant 0 : index
      %swap3A_898 = arith.constant 0 : index
      %swap3A_899 = vector.load %arg13[%swap3A_896, %swap3A_897, %swap3A_898] : memref<16x64x320xf32, #tpu.memory_space<vmem>>, vector<16x64x320xf32>
      tpu.vector_store %arg13[%swap3A_896, %swap3A_897, %swap3A_898], %get3A_895 {strides = array<i32>} : memref<16x64x320xf32, #tpu.memory_space<vmem>>, vector<16x64x320xf32>,
    } else {
    }
    %get3A = arith.constant 0 : index
    %get3A_3 = arith.constant 0 : index
    %get3A_4 = arith.constant 0 : index
    %get3A_5 = vector.load %arg12[%get3A, %get3A_3, %get3A_4] : memref<16x8x128xf32, #tpu.memory_space<vmem>>, vector<16x8x128xf32>
    %get3A_6 = arith.constant 0 : index
    %get3A_7 = arith.constant 0 : index
    %get3A_8 = arith.constant 0 : index
    %get3A_9 = vector.load %arg13[%get3A_6, %get3A_7, %get3A_8] : memref<16x64x320xf32, #tpu.memory_space<vmem>>, vector<16x64x320xf32>
    %swap3A = arith.constant 0 : index
    %swap3A_10 = arith.constant 0 : index
    %swap3A_11 = arith.constant 0 : index
    %swap3A_12 = arith.constant 0 : index
    %swap3A_13 = vector.load %arg10[%swap3A, %swap3A_10, %swap3A_11, %swap3A_12] : memref<16x1x8x128xf32, #tpu.memory_space<vmem>>, vector<16x1x8x128xf32>
    %swap3A_14 = vector.shape_cast %swap3A_13 : vector<16x1x8x128xf32> to vector<16x8x128xf32>
    %swap3A_15 = vector.shape_cast %get3A_5 : vector<16x8x128xf32> to vector<16x1x8x128xf32>
    tpu.vector_store %arg10[%swap3A, %swap3A_10, %swap3A_11, %swap3A_12], %swap3A_15 {strides = array<i32>} : memref<16x1x8x128xf32, #tpu.memory_space<vmem>>, vector<16x1x8x128xf32>,
    %swap3A_16 = arith.constant 0 : index
    %swap3A_17 = arith.constant 0 : index
    %swap3A_18 = arith.constant 0 : index
    %swap3A_19 = arith.constant 0 : index
    %swap3A_20 = vector.load %arg11[%swap3A_16, %swap3A_17, %swap3A_18, %swap3A_19] : memref<16x1x64x320xf32, #tpu.memory_space<vmem>>, vector<16x1x64x320xf32>
    %swap3A_21 = vector.shape_cast %swap3A_20 : vector<16x1x64x320xf32> to vector<16x64x320xf32>
    %swap3A_22 = vector.shape_cast %get3A_9 : vector<16x64x320xf32> to vector<16x1x64x320xf32>
    tpu.vector_store %arg11[%swap3A_16, %swap3A_17, %swap3A_18, %swap3A_19], %swap3A_22 {strides = array<i32>} : memref<16x1x64x320xf32, #tpu.memory_space<vmem>>, vector<16x1x64x320xf32>,
    %get3A_23 = arith.constant 0 : index
    %get3A_24 = arith.constant 0 : index
    %get3A_25 = arith.constant 0 : index
    %get3A_26 = memref.load %arg5[%get3A_23, %get3A_24, %get3A_25] : memref<1x1x1xf32, #tpu.memory_space<smem>>
    %sub3A = arith.constant 1.000000e+00 : f32
    %sub3A_27 = arith.subf %sub3A, %get3A_26 : f32
    %get3A_28 = arith.constant 0 : index
    %get3A_29 = arith.constant 0 : index
    %get3A_30 = arith.constant 0 : index
    %get3A_31 = memref.load %arg4[%get3A_28, %get3A_29, %get3A_30] : memref<1x1x4xi32, #tpu.memory_space<smem>>
    %get3A_32 = arith.constant 0 : index
    %get3A_33 = arith.constant 0 : index
    %get3A_34 = arith.constant 1 : index
    %get3A_35 = memref.load %arg4[%get3A_32, %get3A_33, %get3A_34] : memref<1x1x4xi32, #tpu.memory_space<smem>>
    %get3A_36 = arith.constant 0 : index
    %get3A_37 = arith.constant 0 : index
    %get3A_38 = arith.constant 2 : index
    %get3A_39 = memref.load %arg4[%get3A_36, %get3A_37, %get3A_38] : memref<1x1x4xi32, #tpu.memory_space<smem>>
    %get3A_40 = arith.constant 0 : index
    %get3A_41 = arith.constant 0 : index
    %get3A_42 = arith.constant 3 : index
    %get3A_43 = memref.load %arg4[%get3A_40, %get3A_41, %get3A_42] : memref<1x1x4xi32, #tpu.memory_space<smem>>
    %mul3A_44 = vector.broadcast %sub3A_27 : f32 to vector<16x8x128xf32>
    %mul3A_45 = arith.mulf %get3A_5, %mul3A_44 : vector<16x8x128xf32>
    %get3A_46 = arith.constant 0 : index
    %get3A_47 = arith.constant 0 : index
    %get3A_48 = arith.constant 0 : index
    %get3A_49 = vector.load %arg6[%get3A_46, %get3A_47, %get3A_48] : memref<1x1x128xf32, #tpu.memory_space<vmem>>, vector<1x1x128xf32>
    %mul3A_50 = vector.broadcast %get3A_26 : f32 to vector<1x1x128xf32>
    %mul3A_51 = arith.mulf %get3A_49, %mul3A_50 : vector<1x1x128xf32>
    %add3A = vector.broadcast %mul3A_51 : vector<1x1x128xf32> to vector<16x8x128xf32>
    %add3A_52 = arith.addf %mul3A_45, %add3A : vector<16x8x128xf32>
    %jit3A = arith.constant 0.000000e+00 : f32
    %jit3A_53 = arith.constant 1.000000e+00 : f32
    %max3A = vector.broadcast %jit3A : f32 to vector<16x8x128xf32>
    %max3A_54 = arith.maximumf %max3A, %add3A_52 : vector<16x8x128xf32>
    %min3A = vector.broadcast %jit3A_53 : f32 to vector<16x8x128xf32>
    %min3A_55 = arith.minimumf %min3A, %max3A_54 : vector<16x8x128xf32>
    %iota3A = tpu.iota {dimensions = array<i32: 0>} : vector<16x8x128xi32>
    %iota3A_56 = tpu.iota {dimensions = array<i32: 1>} : vector<16x8x128xi32>
    %iota3A_57 = tpu.iota {dimensions = array<i32: 2>} : vector<16x8x128xi32>
    %add3A_58 = vector.broadcast %mul3A_0 : i32 to vector<16x8x128xi32>
    %add3A_59 = arith.addi %add3A_58, %iota3A : vector<16x8x128xi32>
    %mul3A_60 = arith.constant 1024 : i32
    %mul3A_61 = vector.broadcast %mul3A_60 : i32 to vector<16x8x128xi32>
    %mul3A_62 = arith.muli %add3A_59, %mul3A_61 : vector<16x8x128xi32>
    %mul3A_63 = arith.constant 128 : i32
    %mul3A_64 = vector.broadcast %mul3A_63 : i32 to vector<16x8x128xi32>
    %mul3A_65 = arith.muli %iota3A_56, %mul3A_64 : vector<16x8x128xi32>
    %add3A_66 = arith.addi %mul3A_62, %mul3A_65 : vector<16x8x128xi32>
    %add3A_67 = arith.addi %add3A_66, %iota3A_57 : vector<16x8x128xi32>
    %xor3A = arith.xori %get3A_31, %get3A_35 : i32
    %xor3A_68 = arith.constant 466688986 : i32
    %xor3A_69 = arith.xori %xor3A, %xor3A_68 : i32
    %broadcast_in_dim3A = arith.constant 0 : i32
    %broadcast_in_dim3A_70 = vector.broadcast %broadcast_in_dim3A : i32 to vector<16x8x128xi32>
    %add3A_71 = vector.broadcast %get3A_31 : i32 to vector<16x8x128xi32>
    %add3A_72 = arith.addi %broadcast_in_dim3A_70, %add3A_71 : vector<16x8x128xi32>
    %add3A_73 = vector.broadcast %get3A_35 : i32 to vector<16x8x128xi32>
    %add3A_74 = arith.addi %add3A_67, %add3A_73 : vector<16x8x128xi32>
    %add3A_75 = arith.addi %add3A_72, %add3A_74 : vector<16x8x128xi32>
    %shift_left3A = arith.constant 13 : i32
    %shift_left3A_76 = vector.broadcast %shift_left3A : i32 to vector<16x8x128xi32>
    %shift_left3A_77 = arith.shli %add3A_74, %shift_left3A_76 : vector<16x8x128xi32>
    %shift_right_logical3A = arith.constant 19 : i32
    %shift_right_logical3A_78 = vector.broadcast %shift_right_logical3A : i32 to vector<16x8x128xi32>
    %shift_right_logical3A_79 = arith.shrui %add3A_74, %shift_right_logical3A_78 : vector<16x8x128xi32>
    %or3A = arith.ori %shift_left3A_77, %shift_right_logical3A_79 : vector<16x8x128xi32>
    %xor3A_80 = arith.xori %or3A, %add3A_75 : vector<16x8x128xi32>
    %add3A_81 = arith.addi %add3A_75, %xor3A_80 : vector<16x8x128xi32>
    %shift_left3A_82 = arith.constant 15 : i32
    %shift_left3A_83 = vector.broadcast %shift_left3A_82 : i32 to vector<16x8x128xi32>
    %shift_left3A_84 = arith.shli %xor3A_80, %shift_left3A_83 : vector<16x8x128xi32>
    %shift_right_logical3A_85 = arith.constant 17 : i32
    %shift_right_logical3A_86 = vector.broadcast %shift_right_logical3A_85 : i32 to vector<16x8x128xi32>
    %shift_right_logical3A_87 = arith.shrui %xor3A_80, %shift_right_logical3A_86 : vector<16x8x128xi32>
    %or3A_88 = arith.ori %shift_left3A_84, %shift_right_logical3A_87 : vector<16x8x128xi32>
    %xor3A_89 = arith.xori %or3A_88, %add3A_81 : vector<16x8x128xi32>
    %add3A_90 = arith.addi %add3A_81, %xor3A_89 : vector<16x8x128xi32>
    %shift_left3A_91 = arith.constant 26 : i32
    %shift_left3A_92 = vector.broadcast %shift_left3A_91 : i32 to vector<16x8x128xi32>
    %shift_left3A_93 = arith.shli %xor3A_89, %shift_left3A_92 : vector<16x8x128xi32>
    %shift_right_logical3A_94 = arith.constant 6 : i32
    %shift_right_logical3A_95 = vector.broadcast %shift_right_logical3A_94 : i32 to vector<16x8x128xi32>
    %shift_right_logical3A_96 = arith.shrui %xor3A_89, %shift_right_logical3A_95 : vector<16x8x128xi32>
    %or3A_97 = arith.ori %shift_left3A_93, %shift_right_logical3A_96 : vector<16x8x128xi32>
    %xor3A_98 = arith.xori %or3A_97, %add3A_90 : vector<16x8x128xi32>
    %add3A_99 = arith.addi %add3A_90, %xor3A_98 : vector<16x8x128xi32>
    %shift_left3A_100 = arith.constant 6 : i32
    %shift_left3A_101 = vector.broadcast %shift_left3A_100 : i32 to vector<16x8x128xi32>
    %shift_left3A_102 = arith.shli %xor3A_98, %shift_left3A_101 : vector<16x8x128xi32>
    %shift_right_logical3A_103 = arith.constant 26 : i32
    %shift_right_logical3A_104 = vector.broadcast %shift_right_logical3A_103 : i32 to vector<16x8x128xi32>
    %shift_right_logical3A_105 = arith.shrui %xor3A_98, %shift_right_logical3A_104 : vector<16x8x128xi32>
    %or3A_106 = arith.ori %shift_left3A_102, %shift_right_logical3A_105 : vector<16x8x128xi32>
    %xor3A_107 = arith.xori %or3A_106, %add3A_99 : vector<16x8x128xi32>
    %add3A_108 = vector.broadcast %get3A_35 : i32 to vector<16x8x128xi32>
    %add3A_109 = arith.addi %add3A_99, %add3A_108 : vector<16x8x128xi32>
    %add3A_110 = vector.broadcast %xor3A_69 : i32 to vector<16x8x128xi32>
    %add3A_111 = arith.addi %xor3A_107, %add3A_110 : vector<16x8x128xi32>
    %add3A_112 = arith.constant 1 : i32
    %add3A_113 = vector.broadcast %add3A_112 : i32 to vector<16x8x128xi32>
    %add3A_114 = arith.addi %add3A_111, %add3A_113 : vector<16x8x128xi32>
    %add3A_115 = arith.addi %add3A_109, %add3A_114 : vector<16x8x128xi32>
    %shift_left3A_116 = arith.constant 17 : i32
    %shift_left3A_117 = vector.broadcast %shift_left3A_116 : i32 to vector<16x8x128xi32>
    %shift_left3A_118 = arith.shli %add3A_114, %shift_left3A_117 : vector<16x8x128xi32>
    %shift_right_logical3A_119 = arith.constant 15 : i32
    %shift_right_logical3A_120 = vector.broadcast %shift_right_logical3A_119 : i32 to vector<16x8x128xi32>
    %shift_right_logical3A_121 = arith.shrui %add3A_114, %shift_right_logical3A_120 : vector<16x8x128xi32>
    %or3A_122 = arith.ori %shift_left3A_118, %shift_right_logical3A_121 : vector<16x8x128xi32>
    %xor3A_123 = arith.xori %or3A_122, %add3A_115 : vector<16x8x128xi32>
    %add3A_124 = arith.addi %add3A_115, %xor3A_123 : vector<16x8x128xi32>
    %shift_left3A_125 = arith.constant 29 : i32
    %shift_left3A_126 = vector.broadcast %shift_left3A_125 : i32 to vector<16x8x128xi32>
    %shift_left3A_127 = arith.shli %xor3A_123, %shift_left3A_126 : vector<16x8x128xi32>
    %shift_right_logical3A_128 = arith.constant 3 : i32
    %shift_right_logical3A_129 = vector.broadcast %shift_right_logical3A_128 : i32 to vector<16x8x128xi32>
    %shift_right_logical3A_130 = arith.shrui %xor3A_123, %shift_right_logical3A_129 : vector<16x8x128xi32>
    %or3A_131 = arith.ori %shift_left3A_127, %shift_right_logical3A_130 : vector<16x8x128xi32>
    %xor3A_132 = arith.xori %or3A_131, %add3A_124 : vector<16x8x128xi32>
    %add3A_133 = arith.addi %add3A_124, %xor3A_132 : vector<16x8x128xi32>
    %shift_left3A_134 = arith.constant 16 : i32
    %shift_left3A_135 = vector.broadcast %shift_left3A_134 : i32 to vector<16x8x128xi32>
    %shift_left3A_136 = arith.shli %xor3A_132, %shift_left3A_135 : vector<16x8x128xi32>
    %shift_right_logical3A_137 = arith.constant 16 : i32
    %shift_right_logical3A_138 = vector.broadcast %shift_right_logical3A_137 : i32 to vector<16x8x128xi32>
    %shift_right_logical3A_139 = arith.shrui %xor3A_132, %shift_right_logical3A_138 : vector<16x8x128xi32>
    %or3A_140 = arith.ori %shift_left3A_136, %shift_right_logical3A_139 : vector<16x8x128xi32>
    %xor3A_141 = arith.xori %or3A_140, %add3A_133 : vector<16x8x128xi32>
    %add3A_142 = arith.addi %add3A_133, %xor3A_141 : vector<16x8x128xi32>
    %shift_left3A_143 = arith.constant 24 : i32
    %shift_left3A_144 = vector.broadcast %shift_left3A_143 : i32 to vector<16x8x128xi32>
    %shift_left3A_145 = arith.shli %xor3A_141, %shift_left3A_144 : vector<16x8x128xi32>
    %shift_right_logical3A_146 = arith.constant 8 : i32
    %shift_right_logical3A_147 = vector.broadcast %shift_right_logical3A_146 : i32 to vector<16x8x128xi32>
    %shift_right_logical3A_148 = arith.shrui %xor3A_141, %shift_right_logical3A_147 : vector<16x8x128xi32>
    %or3A_149 = arith.ori %shift_left3A_145, %shift_right_logical3A_148 : vector<16x8x128xi32>
    %xor3A_150 = arith.xori %or3A_149, %add3A_142 : vector<16x8x128xi32>
    %add3A_151 = vector.broadcast %xor3A_69 : i32 to vector<16x8x128xi32>
    %add3A_152 = arith.addi %add3A_142, %add3A_151 : vector<16x8x128xi32>
    %add3A_153 = vector.broadcast %get3A_31 : i32 to vector<16x8x128xi32>
    %add3A_154 = arith.addi %xor3A_150, %add3A_153 : vector<16x8x128xi32>
    %add3A_155 = arith.constant 2 : i32
    %add3A_156 = vector.broadcast %add3A_155 : i32 to vector<16x8x128xi32>
    %add3A_157 = arith.addi %add3A_154, %add3A_156 : vector<16x8x128xi32>
    %add3A_158 = arith.addi %add3A_152, %add3A_157 : vector<16x8x128xi32>
    %shift_left3A_159 = arith.constant 13 : i32
    %shift_left3A_160 = vector.broadcast %shift_left3A_159 : i32 to vector<16x8x128xi32>
    %shift_left3A_161 = arith.shli %add3A_157, %shift_left3A_160 : vector<16x8x128xi32>
    %shift_right_logical3A_162 = arith.constant 19 : i32
    %shift_right_logical3A_163 = vector.broadcast %shift_right_logical3A_162 : i32 to vector<16x8x128xi32>
    %shift_right_logical3A_164 = arith.shrui %add3A_157, %shift_right_logical3A_163 : vector<16x8x128xi32>
    %or3A_165 = arith.ori %shift_left3A_161, %shift_right_logical3A_164 : vector<16x8x128xi32>
    %xor3A_166 = arith.xori %or3A_165, %add3A_158 : vector<16x8x128xi32>
    %add3A_167 = arith.addi %add3A_158, %xor3A_166 : vector<16x8x128xi32>
    %shift_left3A_168 = arith.constant 15 : i32
    %shift_left3A_169 = vector.broadcast %shift_left3A_168 : i32 to vector<16x8x128xi32>
    %shift_left3A_170 = arith.shli %xor3A_166, %shift_left3A_169 : vector<16x8x128xi32>
    %shift_right_logical3A_171 = arith.constant 17 : i32
    %shift_right_logical3A_172 = vector.broadcast %shift_right_logical3A_171 : i32 to vector<16x8x128xi32>
    %shift_right_logical3A_173 = arith.shrui %xor3A_166, %shift_right_logical3A_172 : vector<16x8x128xi32>
    %or3A_174 = arith.ori %shift_left3A_170, %shift_right_logical3A_173 : vector<16x8x128xi32>
    %xor3A_175 = arith.xori %or3A_174, %add3A_167 : vector<16x8x128xi32>
    %add3A_176 = arith.addi %add3A_167, %xor3A_175 : vector<16x8x128xi32>
    %shift_left3A_177 = arith.constant 26 : i32
    %shift_left3A_178 = vector.broadcast %shift_left3A_177 : i32 to vector<16x8x128xi32>
    %shift_left3A_179 = arith.shli %xor3A_175, %shift_left3A_178 : vector<16x8x128xi32>
    %shift_right_logical3A_180 = arith.constant 6 : i32
    %shift_right_logical3A_181 = vector.broadcast %shift_right_logical3A_180 : i32 to vector<16x8x128xi32>
    %shift_right_logical3A_182 = arith.shrui %xor3A_175, %shift_right_logical3A_181 : vector<16x8x128xi32>
    %or3A_183 = arith.ori %shift_left3A_179, %shift_right_logical3A_182 : vector<16x8x128xi32>
    %xor3A_184 = arith.xori %or3A_183, %add3A_176 : vector<16x8x128xi32>
    %add3A_185 = arith.addi %add3A_176, %xor3A_184 : vector<16x8x128xi32>
    %shift_left3A_186 = arith.constant 6 : i32
    %shift_left3A_187 = vector.broadcast %shift_left3A_186 : i32 to vector<16x8x128xi32>
    %shift_left3A_188 = arith.shli %xor3A_184, %shift_left3A_187 : vector<16x8x128xi32>
    %shift_right_logical3A_189 = arith.constant 26 : i32
    %shift_right_logical3A_190 = vector.broadcast %shift_right_logical3A_189 : i32 to vector<16x8x128xi32>
    %shift_right_logical3A_191 = arith.shrui %xor3A_184, %shift_right_logical3A_190 : vector<16x8x128xi32>
    %or3A_192 = arith.ori %shift_left3A_188, %shift_right_logical3A_191 : vector<16x8x128xi32>
    %xor3A_193 = arith.xori %or3A_192, %add3A_185 : vector<16x8x128xi32>
    %add3A_194 = vector.broadcast %get3A_31 : i32 to vector<16x8x128xi32>
    %add3A_195 = arith.addi %add3A_185, %add3A_194 : vector<16x8x128xi32>
    %add3A_196 = vector.broadcast %get3A_35 : i32 to vector<16x8x128xi32>
    %add3A_197 = arith.addi %xor3A_193, %add3A_196 : vector<16x8x128xi32>
    %add3A_198 = arith.constant 3 : i32
    %add3A_199 = vector.broadcast %add3A_198 : i32 to vector<16x8x128xi32>
    %add3A_200 = arith.addi %add3A_197, %add3A_199 : vector<16x8x128xi32>
    %add3A_201 = arith.addi %add3A_195, %add3A_200 : vector<16x8x128xi32>
    %shift_left3A_202 = arith.constant 17 : i32
    %shift_left3A_203 = vector.broadcast %shift_left3A_202 : i32 to vector<16x8x128xi32>
    %shift_left3A_204 = arith.shli %add3A_200, %shift_left3A_203 : vector<16x8x128xi32>
    %shift_right_logical3A_205 = arith.constant 15 : i32
    %shift_right_logical3A_206 = vector.broadcast %shift_right_logical3A_205 : i32 to vector<16x8x128xi32>
    %shift_right_logical3A_207 = arith.shrui %add3A_200, %shift_right_logical3A_206 : vector<16x8x128xi32>
    %or3A_208 = arith.ori %shift_left3A_204, %shift_right_logical3A_207 : vector<16x8x128xi32>
    %xor3A_209 = arith.xori %or3A_208, %add3A_201 : vector<16x8x128xi32>
    %add3A_210 = arith.addi %add3A_201, %xor3A_209 : vector<16x8x128xi32>
    %shift_left3A_211 = arith.constant 29 : i32
    %shift_left3A_212 = vector.broadcast %shift_left3A_211 : i32 to vector<16x8x128xi32>
    %shift_left3A_213 = arith.shli %xor3A_209, %shift_left3A_212 : vector<16x8x128xi32>
    %shift_right_logical3A_214 = arith.constant 3 : i32
    %shift_right_logical3A_215 = vector.broadcast %shift_right_logical3A_214 : i32 to vector<16x8x128xi32>
    %shift_right_logical3A_216 = arith.shrui %xor3A_209, %shift_right_logical3A_215 : vector<16x8x128xi32>
    %or3A_217 = arith.ori %shift_left3A_213, %shift_right_logical3A_216 : vector<16x8x128xi32>
    %xor3A_218 = arith.xori %or3A_217, %add3A_210 : vector<16x8x128xi32>
    %add3A_219 = arith.addi %add3A_210, %xor3A_218 : vector<16x8x128xi32>
    %shift_left3A_220 = arith.constant 16 : i32
    %shift_left3A_221 = vector.broadcast %shift_left3A_220 : i32 to vector<16x8x128xi32>
    %shift_left3A_222 = arith.shli %xor3A_218, %shift_left3A_221 : vector<16x8x128xi32>
    %shift_right_logical3A_223 = arith.constant 16 : i32
    %shift_right_logical3A_224 = vector.broadcast %shift_right_logical3A_223 : i32 to vector<16x8x128xi32>
    %shift_right_logical3A_225 = arith.shrui %xor3A_218, %shift_right_logical3A_224 : vector<16x8x128xi32>
    %or3A_226 = arith.ori %shift_left3A_222, %shift_right_logical3A_225 : vector<16x8x128xi32>
    %xor3A_227 = arith.xori %or3A_226, %add3A_219 : vector<16x8x128xi32>
    %add3A_228 = arith.addi %add3A_219, %xor3A_227 : vector<16x8x128xi32>
    %shift_left3A_229 = arith.constant 24 : i32
    %shift_left3A_230 = vector.broadcast %shift_left3A_229 : i32 to vector<16x8x128xi32>
    %shift_left3A_231 = arith.shli %xor3A_227, %shift_left3A_230 : vector<16x8x128xi32>
    %shift_right_logical3A_232 = arith.constant 8 : i32
    %shift_right_logical3A_233 = vector.broadcast %shift_right_logical3A_232 : i32 to vector<16x8x128xi32>
    %shift_right_logical3A_234 = arith.shrui %xor3A_227, %shift_right_logical3A_233 : vector<16x8x128xi32>
    %or3A_235 = arith.ori %shift_left3A_231, %shift_right_logical3A_234 : vector<16x8x128xi32>
    %xor3A_236 = arith.xori %or3A_235, %add3A_228 : vector<16x8x128xi32>
    %add3A_237 = vector.broadcast %get3A_35 : i32 to vector<16x8x128xi32>
    %add3A_238 = arith.addi %add3A_228, %add3A_237 : vector<16x8x128xi32>
    %add3A_239 = vector.broadcast %xor3A_69 : i32 to vector<16x8x128xi32>
    %add3A_240 = arith.addi %xor3A_236, %add3A_239 : vector<16x8x128xi32>
    %add3A_241 = arith.constant 4 : i32
    %add3A_242 = vector.broadcast %add3A_241 : i32 to vector<16x8x128xi32>
    %add3A_243 = arith.addi %add3A_240, %add3A_242 : vector<16x8x128xi32>
    %add3A_244 = arith.addi %add3A_238, %add3A_243 : vector<16x8x128xi32>
    %shift_left3A_245 = arith.constant 13 : i32
    %shift_left3A_246 = vector.broadcast %shift_left3A_245 : i32 to vector<16x8x128xi32>
    %shift_left3A_247 = arith.shli %add3A_243, %shift_left3A_246 : vector<16x8x128xi32>
    %shift_right_logical3A_248 = arith.constant 19 : i32
    %shift_right_logical3A_249 = vector.broadcast %shift_right_logical3A_248 : i32 to vector<16x8x128xi32>
    %shift_right_logical3A_250 = arith.shrui %add3A_243, %shift_right_logical3A_249 : vector<16x8x128xi32>
    %or3A_251 = arith.ori %shift_left3A_247, %shift_right_logical3A_250 : vector<16x8x128xi32>
    %xor3A_252 = arith.xori %or3A_251, %add3A_244 : vector<16x8x128xi32>
    %add3A_253 = arith.addi %add3A_244, %xor3A_252 : vector<16x8x128xi32>
    %shift_left3A_254 = arith.constant 15 : i32
    %shift_left3A_255 = vector.broadcast %shift_left3A_254 : i32 to vector<16x8x128xi32>
    %shift_left3A_256 = arith.shli %xor3A_252, %shift_left3A_255 : vector<16x8x128xi32>
    %shift_right_logical3A_257 = arith.constant 17 : i32
    %shift_right_logical3A_258 = vector.broadcast %shift_right_logical3A_257 : i32 to vector<16x8x128xi32>
    %shift_right_logical3A_259 = arith.shrui %xor3A_252, %shift_right_logical3A_258 : vector<16x8x128xi32>
    %or3A_260 = arith.ori %shift_left3A_256, %shift_right_logical3A_259 : vector<16x8x128xi32>
    %xor3A_261 = arith.xori %or3A_260, %add3A_253 : vector<16x8x128xi32>
    %add3A_262 = arith.addi %add3A_253, %xor3A_261 : vector<16x8x128xi32>
    %shift_left3A_263 = arith.constant 26 : i32
    %shift_left3A_264 = vector.broadcast %shift_left3A_263 : i32 to vector<16x8x128xi32>
    %shift_left3A_265 = arith.shli %xor3A_261, %shift_left3A_264 : vector<16x8x128xi32>
    %shift_right_logical3A_266 = arith.constant 6 : i32
    %shift_right_logical3A_267 = vector.broadcast %shift_right_logical3A_266 : i32 to vector<16x8x128xi32>
    %shift_right_logical3A_268 = arith.shrui %xor3A_261, %shift_right_logical3A_267 : vector<16x8x128xi32>
    %or3A_269 = arith.ori %shift_left3A_265, %shift_right_logical3A_268 : vector<16x8x128xi32>
    %xor3A_270 = arith.xori %or3A_269, %add3A_262 : vector<16x8x128xi32>
    %add3A_271 = arith.addi %add3A_262, %xor3A_270 : vector<16x8x128xi32>
    %shift_left3A_272 = arith.constant 6 : i32
    %shift_left3A_273 = vector.broadcast %shift_left3A_272 : i32 to vector<16x8x128xi32>
    %shift_left3A_274 = arith.shli %xor3A_270, %shift_left3A_273 : vector<16x8x128xi32>
    %shift_right_logical3A_275 = arith.constant 26 : i32
    %shift_right_logical3A_276 = vector.broadcast %shift_right_logical3A_275 : i32 to vector<16x8x128xi32>
    %shift_right_logical3A_277 = arith.shrui %xor3A_270, %shift_right_logical3A_276 : vector<16x8x128xi32>
    %or3A_278 = arith.ori %shift_left3A_274, %shift_right_logical3A_277 : vector<16x8x128xi32>
    %xor3A_279 = arith.xori %or3A_278, %add3A_271 : vector<16x8x128xi32>
    %add3A_280 = vector.broadcast %xor3A_69 : i32 to vector<16x8x128xi32>
    %add3A_281 = arith.addi %add3A_271, %add3A_280 : vector<16x8x128xi32>
    %add3A_282 = vector.broadcast %get3A_31 : i32 to vector<16x8x128xi32>
    %add3A_283 = arith.addi %xor3A_279, %add3A_282 : vector<16x8x128xi32>
    %add3A_284 = arith.constant 5 : i32
    %add3A_285 = vector.broadcast %add3A_284 : i32 to vector<16x8x128xi32>
    %add3A_286 = arith.addi %add3A_283, %add3A_285 : vector<16x8x128xi32>
    %xor3A_287 = arith.xori %add3A_281, %add3A_286 : vector<16x8x128xi32>
    %shift_right_logical3A_288 = arith.constant 9 : i32
    %shift_right_logical3A_289 = vector.broadcast %shift_right_logical3A_288 : i32 to vector<16x8x128xi32>
    %shift_right_logical3A_290 = arith.shrui %xor3A_287, %shift_right_logical3A_289 : vector<16x8x128xi32>
    %or3A_291 = arith.constant 1065353216 : i32
    %or3A_292 = vector.broadcast %or3A_291 : i32 to vector<16x8x128xi32>
    %or3A_293 = arith.ori %shift_right_logical3A_290, %or3A_292 : vector<16x8x128xi32>
    %bitcast_convert_type3A = tpu.bitcast %or3A_293 : vector<16x8x128xi32> -> vector<16x8x128xf32>
    %sub3A_294 = arith.constant 1.000000e+00 : f32
    %sub3A_295 = vector.broadcast %sub3A_294 : f32 to vector<16x8x128xf32>
    %sub3A_296 = arith.subf %bitcast_convert_type3A, %sub3A_295 : vector<16x8x128xf32>
    %max3A_297 = arith.constant 1.17549435E-38 : f32
    %max3A_298 = vector.broadcast %max3A_297 : f32 to vector<16x8x128xf32>
    %max3A_299 = arith.maximumf %sub3A_296, %max3A_298 : vector<16x8x128xf32>
    %log3A = math.log %max3A_299 : vector<16x8x128xf32>
    %neg3A = arith.constant 0.000000e+00 : f32
    %neg3A_300 = vector.broadcast %neg3A : f32 to vector<16x8x128xf32>
    %neg3A_301 = arith.subf %neg3A_300, %log3A : vector<16x8x128xf32>
    %log3A_302 = math.log %neg3A_301 : vector<16x8x128xf32>
    %neg3A_303 = arith.constant 0.000000e+00 : f32
    %neg3A_304 = vector.broadcast %neg3A_303 : f32 to vector<16x8x128xf32>
    %neg3A_305 = arith.subf %neg3A_304, %log3A_302 : vector<16x8x128xf32>
    %log3A_306 = math.log %min3A_55 : vector<16x8x128xf32>
    %add3A_307 = arith.addf %neg3A_305, %log3A_306 : vector<16x8x128xf32>
    %iota3A_308 = tpu.iota {dimensions = array<i32: 2>} : vector<16x8x128xi32>
    %jit3A_309 = arith.constant 16 : i32
    %eq3A_310 = arith.constant 0 : i32
    %eq3A_311 = arith.cmpi eq, %jit3A_309, %eq3A_310 : i32
    %jit3A_312 = arith.constant 1 : i32
    %select_n3A = arith.select %eq3A_311, %jit3A_312, %jit3A_309 : i32
    %rem3A = vector.broadcast %select_n3A : i32 to vector<16x8x128xi32>
    %rem3A_313 = arith.remsi %iota3A_308, %rem3A : vector<16x8x128xi32>
    %ne3A = arith.constant 0 : i32
    %ne3A_314 = vector.broadcast %ne3A : i32 to vector<16x8x128xi32>
    %ne3A_315 = arith.cmpi ne, %rem3A_313, %ne3A_314 : vector<16x8x128xi32>
    %lt3A = arith.constant 0 : i32
    %lt3A_316 = vector.broadcast %lt3A : i32 to vector<16x8x128xi32>
    %lt3A_317 = arith.cmpi slt, %rem3A_313, %lt3A_316 : vector<16x8x128xi32>
    %lt3A_318 = arith.constant 0 : i32
    %lt3A_319 = arith.cmpi slt, %select_n3A, %lt3A_318 : i32
    %ne3A_320 = vector.broadcast %lt3A_319 : i1 to vector<16x8x128xi1>
    %ne3A_321 = vector.broadcast %ne3A_320 : vector<16x8x128xi1> to vector<16x8x128xi1>
    %ne3A_322 = arith.xori %lt3A_317, %ne3A_321 : vector<16x8x128xi1>
    %and3A = arith.andi %ne3A_322, %ne3A_315 : vector<16x8x128xi1>
    %add3A_323 = vector.broadcast %select_n3A : i32 to vector<16x8x128xi32>
    %add3A_324 = arith.addi %rem3A_313, %add3A_323 : vector<16x8x128xi32>
    %select_n3A_325 = arith.select %and3A, %add3A_324, %rem3A_313 : vector<16x8x128xi1>, vector<16x8x128xi32>
    %ge3A = arith.constant 1 : i32
    %ge3A_326 = vector.broadcast %ge3A : i32 to vector<16x8x128xi32>
    %ge3A_327 = arith.cmpi sge, %select_n3A_325, %ge3A_326 : vector<16x8x128xi32>
    %slice3A = vector.extract_strided_slice %add3A_307 {offsets = [0, 0, 127], sizes = [16, 8, 1], strides = [1, 1, 1]} : vector<16x8x128xf32> to vector<16x8x1xf32>
    %slice3A_328 = vector.extract_strided_slice %add3A_307 {offsets = [0, 0, 0], sizes = [16, 8, 127], strides = [1, 1, 1]} : vector<16x8x128xf32> to vector<16x8x127xf32>
    %concatenate3A = tpu.concatenate %slice3A, %slice3A_328 in 2 : vector<16x8x1xf32>, vector<16x8x127xf32> -> vector<16x8x128xf32>
    %jit3A_329 = arith.constant 0xFF800000 : f32
    %broadcast_in_dim3A_330 = vector.broadcast %jit3A_329 : f32 to vector<16x8x128xf32>
    %select_n3A_331 = arith.select %ge3A_327, %concatenate3A, %broadcast_in_dim3A_330 : vector<16x8x128xi1>, vector<16x8x128xf32>
    %max3A_332 = arith.maximumf %add3A_307, %select_n3A_331 : vector<16x8x128xf32>
    %ge3A_333 = arith.constant 2 : i32
    %ge3A_334 = vector.broadcast %ge3A_333 : i32 to vector<16x8x128xi32>
    %ge3A_335 = arith.cmpi sge, %select_n3A_325, %ge3A_334 : vector<16x8x128xi32>
    %slice3A_336 = vector.extract_strided_slice %max3A_332 {offsets = [0, 0, 126], sizes = [16, 8, 2], strides = [1, 1, 1]} : vector<16x8x128xf32> to vector<16x8x2xf32>
    %slice3A_337 = vector.extract_strided_slice %max3A_332 {offsets = [0, 0, 0], sizes = [16, 8, 126], strides = [1, 1, 1]} : vector<16x8x128xf32> to vector<16x8x126xf32>
    %concatenate3A_338 = tpu.concatenate %slice3A_336, %slice3A_337 in 2 : vector<16x8x2xf32>, vector<16x8x126xf32> -> vector<16x8x128xf32>
    %jit3A_339 = arith.constant 0xFF800000 : f32
    %broadcast_in_dim3A_340 = vector.broadcast %jit3A_339 : f32 to vector<16x8x128xf32>
    %select_n3A_341 = arith.select %ge3A_335, %concatenate3A_338, %broadcast_in_dim3A_340 : vector<16x8x128xi1>, vector<16x8x128xf32>
    %max3A_342 = arith.maximumf %max3A_332, %select_n3A_341 : vector<16x8x128xf32>
    %ge3A_343 = arith.constant 4 : i32
    %ge3A_344 = vector.broadcast %ge3A_343 : i32 to vector<16x8x128xi32>
    %ge3A_345 = arith.cmpi sge, %select_n3A_325, %ge3A_344 : vector<16x8x128xi32>
    %slice3A_346 = vector.extract_strided_slice %max3A_342 {offsets = [0, 0, 124], sizes = [16, 8, 4], strides = [1, 1, 1]} : vector<16x8x128xf32> to vector<16x8x4xf32>
    %slice3A_347 = vector.extract_strided_slice %max3A_342 {offsets = [0, 0, 0], sizes = [16, 8, 124], strides = [1, 1, 1]} : vector<16x8x128xf32> to vector<16x8x124xf32>
    %concatenate3A_348 = tpu.concatenate %slice3A_346, %slice3A_347 in 2 : vector<16x8x4xf32>, vector<16x8x124xf32> -> vector<16x8x128xf32>
    %jit3A_349 = arith.constant 0xFF800000 : f32
    %broadcast_in_dim3A_350 = vector.broadcast %jit3A_349 : f32 to vector<16x8x128xf32>
    %select_n3A_351 = arith.select %ge3A_345, %concatenate3A_348, %broadcast_in_dim3A_350 : vector<16x8x128xi1>, vector<16x8x128xf32>
    %max3A_352 = arith.maximumf %max3A_342, %select_n3A_351 : vector<16x8x128xf32>
    %ge3A_353 = arith.constant 8 : i32
    %ge3A_354 = vector.broadcast %ge3A_353 : i32 to vector<16x8x128xi32>
    %ge3A_355 = arith.cmpi sge, %select_n3A_325, %ge3A_354 : vector<16x8x128xi32>
    %slice3A_356 = vector.extract_strided_slice %max3A_352 {offsets = [0, 0, 120], sizes = [16, 8, 8], strides = [1, 1, 1]} : vector<16x8x128xf32> to vector<16x8x8xf32>
    %slice3A_357 = vector.extract_strided_slice %max3A_352 {offsets = [0, 0, 0], sizes = [16, 8, 120], strides = [1, 1, 1]} : vector<16x8x128xf32> to vector<16x8x120xf32>
    %concatenate3A_358 = tpu.concatenate %slice3A_356, %slice3A_357 in 2 : vector<16x8x8xf32>, vector<16x8x120xf32> -> vector<16x8x128xf32>
    %jit3A_359 = arith.constant 0xFF800000 : f32
    %broadcast_in_dim3A_360 = vector.broadcast %jit3A_359 : f32 to vector<16x8x128xf32>
    %select_n3A_361 = arith.select %ge3A_355, %concatenate3A_358, %broadcast_in_dim3A_360 : vector<16x8x128xi1>, vector<16x8x128xf32>
    %max3A_362 = arith.maximumf %max3A_352, %select_n3A_361 : vector<16x8x128xf32>
    %ge3A_363 = arith.constant 1 : i32
    %ge3A_364 = vector.broadcast %ge3A_363 : i32 to vector<16x8x128xi32>
    %ge3A_365 = arith.cmpi sge, %select_n3A_325, %ge3A_364 : vector<16x8x128xi32>
    %slice3A_366 = vector.extract_strided_slice %max3A_362 {offsets = [0, 0, 127], sizes = [16, 8, 1], strides = [1, 1, 1]} : vector<16x8x128xf32> to vector<16x8x1xf32>
    %slice3A_367 = vector.extract_strided_slice %max3A_362 {offsets = [0, 0, 0], sizes = [16, 8, 127], strides = [1, 1, 1]} : vector<16x8x128xf32> to vector<16x8x127xf32>
    %concatenate3A_368 = tpu.concatenate %slice3A_366, %slice3A_367 in 2 : vector<16x8x1xf32>, vector<16x8x127xf32> -> vector<16x8x128xf32>
    %jit3A_369 = arith.constant 0xFF800000 : f32
    %broadcast_in_dim3A_370 = vector.broadcast %jit3A_369 : f32 to vector<16x8x128xf32>
    %select_n3A_371 = arith.select %ge3A_365, %concatenate3A_368, %broadcast_in_dim3A_370 : vector<16x8x128xi1>, vector<16x8x128xf32>
    %lt3A_372 = arith.constant 15 : i32
    %lt3A_373 = vector.broadcast %lt3A_372 : i32 to vector<16x8x128xi32>
    %lt3A_374 = arith.cmpi slt, %select_n3A_325, %lt3A_373 : vector<16x8x128xi32>
    %slice3A_375 = vector.extract_strided_slice %add3A_307 {offsets = [0, 0, 1], sizes = [16, 8, 127], strides = [1, 1, 1]} : vector<16x8x128xf32> to vector<16x8x127xf32>
    %slice3A_376 = vector.extract_strided_slice %add3A_307 {offsets = [0, 0, 0], sizes = [16, 8, 1], strides = [1, 1, 1]} : vector<16x8x128xf32> to vector<16x8x1xf32>
    %concatenate3A_377 = tpu.concatenate %slice3A_375, %slice3A_376 in 2 : vector<16x8x127xf32>, vector<16x8x1xf32> -> vector<16x8x128xf32>
    %jit3A_378 = arith.constant 0xFF800000 : f32
    %broadcast_in_dim3A_379 = vector.broadcast %jit3A_378 : f32 to vector<16x8x128xf32>
    %select_n3A_380 = arith.select %lt3A_374, %concatenate3A_377, %broadcast_in_dim3A_379 : vector<16x8x128xi1>, vector<16x8x128xf32>
    %max3A_381 = arith.maximumf %add3A_307, %select_n3A_380 : vector<16x8x128xf32>
    %lt3A_382 = arith.constant 14 : i32
    %lt3A_383 = vector.broadcast %lt3A_382 : i32 to vector<16x8x128xi32>
    %lt3A_384 = arith.cmpi slt, %select_n3A_325, %lt3A_383 : vector<16x8x128xi32>
    %slice3A_385 = vector.extract_strided_slice %max3A_381 {offsets = [0, 0, 2], sizes = [16, 8, 126], strides = [1, 1, 1]} : vector<16x8x128xf32> to vector<16x8x126xf32>
    %slice3A_386 = vector.extract_strided_slice %max3A_381 {offsets = [0, 0, 0], sizes = [16, 8, 2], strides = [1, 1, 1]} : vector<16x8x128xf32> to vector<16x8x2xf32>
    %concatenate3A_387 = tpu.concatenate %slice3A_385, %slice3A_386 in 2 : vector<16x8x126xf32>, vector<16x8x2xf32> -> vector<16x8x128xf32>
    %jit3A_388 = arith.constant 0xFF800000 : f32
    %broadcast_in_dim3A_389 = vector.broadcast %jit3A_388 : f32 to vector<16x8x128xf32>
    %select_n3A_390 = arith.select %lt3A_384, %concatenate3A_387, %broadcast_in_dim3A_389 : vector<16x8x128xi1>, vector<16x8x128xf32>
    %max3A_391 = arith.maximumf %max3A_381, %select_n3A_390 : vector<16x8x128xf32>
    %lt3A_392 = arith.constant 12 : i32
    %lt3A_393 = vector.broadcast %lt3A_392 : i32 to vector<16x8x128xi32>
    %lt3A_394 = arith.cmpi slt, %select_n3A_325, %lt3A_393 : vector<16x8x128xi32>
    %slice3A_395 = vector.extract_strided_slice %max3A_391 {offsets = [0, 0, 4], sizes = [16, 8, 124], strides = [1, 1, 1]} : vector<16x8x128xf32> to vector<16x8x124xf32>
    %slice3A_396 = vector.extract_strided_slice %max3A_391 {offsets = [0, 0, 0], sizes = [16, 8, 4], strides = [1, 1, 1]} : vector<16x8x128xf32> to vector<16x8x4xf32>
    %concatenate3A_397 = tpu.concatenate %slice3A_395, %slice3A_396 in 2 : vector<16x8x124xf32>, vector<16x8x4xf32> -> vector<16x8x128xf32>
    %jit3A_398 = arith.constant 0xFF800000 : f32
    %broadcast_in_dim3A_399 = vector.broadcast %jit3A_398 : f32 to vector<16x8x128xf32>
    %select_n3A_400 = arith.select %lt3A_394, %concatenate3A_397, %broadcast_in_dim3A_399 : vector<16x8x128xi1>, vector<16x8x128xf32>
    %max3A_401 = arith.maximumf %max3A_391, %select_n3A_400 : vector<16x8x128xf32>
    %lt3A_402 = arith.constant 8 : i32
    %lt3A_403 = vector.broadcast %lt3A_402 : i32 to vector<16x8x128xi32>
    %lt3A_404 = arith.cmpi slt, %select_n3A_325, %lt3A_403 : vector<16x8x128xi32>
    %slice3A_405 = vector.extract_strided_slice %max3A_401 {offsets = [0, 0, 8], sizes = [16, 8, 120], strides = [1, 1, 1]} : vector<16x8x128xf32> to vector<16x8x120xf32>
    %slice3A_406 = vector.extract_strided_slice %max3A_401 {offsets = [0, 0, 0], sizes = [16, 8, 8], strides = [1, 1, 1]} : vector<16x8x128xf32> to vector<16x8x8xf32>
    %concatenate3A_407 = tpu.concatenate %slice3A_405, %slice3A_406 in 2 : vector<16x8x120xf32>, vector<16x8x8xf32> -> vector<16x8x128xf32>
    %jit3A_408 = arith.constant 0xFF800000 : f32
    %broadcast_in_dim3A_409 = vector.broadcast %jit3A_408 : f32 to vector<16x8x128xf32>
    %select_n3A_410 = arith.select %lt3A_404, %concatenate3A_407, %broadcast_in_dim3A_409 : vector<16x8x128xi1>, vector<16x8x128xf32>
    %max3A_411 = arith.maximumf %max3A_401, %select_n3A_410 : vector<16x8x128xf32>
    %le3A = arith.constant 14 : i32
    %le3A_412 = vector.broadcast %le3A : i32 to vector<16x8x128xi32>
    %le3A_413 = arith.cmpi sle, %select_n3A_325, %le3A_412 : vector<16x8x128xi32>
    %slice3A_414 = vector.extract_strided_slice %max3A_411 {offsets = [0, 0, 1], sizes = [16, 8, 127], strides = [1, 1, 1]} : vector<16x8x128xf32> to vector<16x8x127xf32>
    %slice3A_415 = vector.extract_strided_slice %max3A_411 {offsets = [0, 0, 0], sizes = [16, 8, 1], strides = [1, 1, 1]} : vector<16x8x128xf32> to vector<16x8x1xf32>
    %concatenate3A_416 = tpu.concatenate %slice3A_414, %slice3A_415 in 2 : vector<16x8x127xf32>, vector<16x8x1xf32> -> vector<16x8x128xf32>
    %jit3A_417 = arith.constant 0xFF800000 : f32
    %broadcast_in_dim3A_418 = vector.broadcast %jit3A_417 : f32 to vector<16x8x128xf32>
    %select_n3A_419 = arith.select %le3A_413, %concatenate3A_416, %broadcast_in_dim3A_418 : vector<16x8x128xi1>, vector<16x8x128xf32>
    %gt3A = arith.cmpf ogt, %add3A_307, %select_n3A_371 : vector<16x8x128xf32>
    %ge3A_420 = arith.cmpf oge, %add3A_307, %select_n3A_419 : vector<16x8x128xf32>
    %and3A_421 = arith.andi %gt3A, %ge3A_420 : vector<16x8x128xi1>
    %jit3A_422 = arith.constant 1.000000e+00 : f32
    %jit3A_423 = arith.constant 0.000000e+00 : f32
    %broadcast_in_dim3A_424 = vector.broadcast %jit3A_422 : f32 to vector<16x8x128xf32>
    %broadcast_in_dim3A_425 = vector.broadcast %jit3A_423 : f32 to vector<16x8x128xf32>
    %select_n3A_426 = arith.select %and3A_421, %broadcast_in_dim3A_424, %broadcast_in_dim3A_425 : vector<16x8x128xi1>, vector<16x8x128xf32>
    %swap3A_427 = arith.constant 0 : index
    %swap3A_428 = arith.constant 0 : index
    %swap3A_429 = arith.constant 0 : index
    %swap3A_430 = vector.load %arg12[%swap3A_427, %swap3A_428, %swap3A_429] : memref<16x8x128xf32, #tpu.memory_space<vmem>>, vector<16x8x128xf32>
    tpu.vector_store %arg12[%swap3A_427, %swap3A_428, %swap3A_429], %select_n3A_426 {strides = array<i32>} : memref<16x8x128xf32, #tpu.memory_space<vmem>>, vector<16x8x128xf32>,
    %swap3A_431 = arith.constant 0 : index
    %swap3A_432 = arith.constant 0 : index
    %swap3A_433 = arith.constant 0 : index
    %swap3A_434 = arith.constant 0 : index
    %swap3A_435 = vector.load %arg8[%swap3A_431, %swap3A_432, %swap3A_433, %swap3A_434] : memref<16x1x8x128xf32, #tpu.memory_space<vmem>>, vector<16x1x8x128xf32>
    %swap3A_436 = vector.shape_cast %swap3A_435 : vector<16x1x8x128xf32> to vector<16x8x128xf32>
    %swap3A_437 = vector.shape_cast %select_n3A_426 : vector<16x8x128xf32> to vector<16x1x8x128xf32>
    tpu.vector_store %arg8[%swap3A_431, %swap3A_432, %swap3A_433, %swap3A_434], %swap3A_437 {strides = array<i32>} : memref<16x1x8x128xf32, #tpu.memory_space<vmem>>, vector<16x1x8x128xf32>,
    %mul3A_438 = vector.broadcast %sub3A_27 : f32 to vector<16x64x320xf32>
    %mul3A_439 = arith.mulf %get3A_9, %mul3A_438 : vector<16x64x320xf32>
    %get3A_440 = arith.constant 0 : index
    %get3A_441 = arith.constant 0 : index
    %get3A_442 = arith.constant 0 : index
    %get3A_443 = vector.load %arg7[%get3A_440, %get3A_441, %get3A_442] : memref<1x1x320xf32, #tpu.memory_space<vmem>>, vector<1x1x320xf32>
    %mul3A_444 = vector.broadcast %get3A_26 : f32 to vector<1x1x320xf32>
    %mul3A_445 = arith.mulf %get3A_443, %mul3A_444 : vector<1x1x320xf32>
    %add3A_446 = vector.broadcast %mul3A_445 : vector<1x1x320xf32> to vector<16x64x320xf32>
    %add3A_447 = arith.addf %mul3A_439, %add3A_446 : vector<16x64x320xf32>
    %jit3A_448 = arith.constant 0.000000e+00 : f32
    %jit3A_449 = arith.constant 1.000000e+00 : f32
    %max3A_450 = vector.broadcast %jit3A_448 : f32 to vector<16x64x320xf32>
    %max3A_451 = arith.maximumf %max3A_450, %add3A_447 : vector<16x64x320xf32>
    %min3A_452 = vector.broadcast %jit3A_449 : f32 to vector<16x64x320xf32>
    %min3A_453 = arith.minimumf %min3A_452, %max3A_451 : vector<16x64x320xf32>
    %iota3A_454 = tpu.iota {dimensions = array<i32: 0>} : vector<16x64x320xi32>
    %iota3A_455 = tpu.iota {dimensions = array<i32: 1>} : vector<16x64x320xi32>
    %iota3A_456 = tpu.iota {dimensions = array<i32: 2>} : vector<16x64x320xi32>
    %jit3A_457 = arith.constant 5 : i32
    %div3A = vector.broadcast %jit3A_457 : i32 to vector<16x64x320xi32>
    %div3A_458 = arith.divsi %iota3A_456, %div3A : vector<16x64x320xi32>
    %sign3A = arith.constant 0 : i32
    %sign3A_459 = vector.broadcast %sign3A : i32 to vector<16x64x320xi32>
    %sign3A_460 = arith.cmpi sgt, %iota3A_456, %sign3A_459 : vector<16x64x320xi32>
    %sign3A_461 = arith.extui %sign3A_460 : vector<16x64x320xi1> to vector<16x64x320xi32>
    %sign3A_462 = arith.constant 0 : i32
    %sign3A_463 = vector.broadcast %sign3A_462 : i32 to vector<16x64x320xi32>
    %sign3A_464 = arith.cmpi slt, %iota3A_456, %sign3A_463 : vector<16x64x320xi32>
    %sign3A_465 = arith.extui %sign3A_464 : vector<16x64x320xi1> to vector<16x64x320xi32>
    %sign3A_466 = arith.subi %sign3A_461, %sign3A_465 : vector<16x64x320xi32>
    %sign3A_467 = arith.constant 0 : i32
    %sign3A_468 = arith.cmpi sgt, %jit3A_457, %sign3A_467 : i32
    %sign3A_469 = arith.extui %sign3A_468 : i1 to i32
    %sign3A_470 = arith.constant 0 : i32
    %sign3A_471 = arith.cmpi slt, %jit3A_457, %sign3A_470 : i32
    %sign3A_472 = arith.extui %sign3A_471 : i1 to i32
    %sign3A_473 = arith.subi %sign3A_469, %sign3A_472 : i32
    %ne3A_474 = vector.broadcast %sign3A_473 : i32 to vector<16x64x320xi32>
    %ne3A_475 = arith.cmpi ne, %sign3A_466, %ne3A_474 : vector<16x64x320xi32>
    %rem3A_476 = vector.broadcast %jit3A_457 : i32 to vector<16x64x320xi32>
    %rem3A_477 = arith.remsi %iota3A_456, %rem3A_476 : vector<16x64x320xi32>
    %ne3A_478 = arith.constant 0 : i32
    %ne3A_479 = vector.broadcast %ne3A_478 : i32 to vector<16x64x320xi32>
    %ne3A_480 = arith.cmpi ne, %rem3A_477, %ne3A_479 : vector<16x64x320xi32>
    %and3A_481 = arith.andi %ne3A_475, %ne3A_480 : vector<16x64x320xi1>
    %sub3A_482 = arith.constant 1 : i32
    %sub3A_483 = vector.broadcast %sub3A_482 : i32 to vector<16x64x320xi32>
    %sub3A_484 = arith.subi %div3A_458, %sub3A_483 : vector<16x64x320xi32>
    %select_n3A_485 = arith.select %and3A_481, %sub3A_484, %div3A_458 : vector<16x64x320xi1>, vector<16x64x320xi32>
    %mul3A_486 = arith.constant 5 : i32
    %mul3A_487 = vector.broadcast %mul3A_486 : i32 to vector<16x64x320xi32>
    %mul3A_488 = arith.muli %select_n3A_485, %mul3A_487 : vector<16x64x320xi32>
    %sub3A_489 = arith.subi %iota3A_456, %mul3A_488 : vector<16x64x320xi32>
    %min3A_490 = arith.minsi %iota3A_455, %select_n3A_485 : vector<16x64x320xi32>
    %max3A_491 = arith.maxsi %iota3A_455, %select_n3A_485 : vector<16x64x320xi32>
    %add3A_492 = vector.broadcast %mul3A_0 : i32 to vector<16x64x320xi32>
    %add3A_493 = arith.addi %add3A_492, %iota3A_454 : vector<16x64x320xi32>
    %mul3A_494 = arith.constant 20480 : i32
    %mul3A_495 = vector.broadcast %mul3A_494 : i32 to vector<16x64x320xi32>
    %mul3A_496 = arith.muli %add3A_493, %mul3A_495 : vector<16x64x320xi32>
    %mul3A_497 = arith.constant 64 : i32
    %mul3A_498 = vector.broadcast %mul3A_497 : i32 to vector<16x64x320xi32>
    %mul3A_499 = arith.muli %min3A_490, %mul3A_498 : vector<16x64x320xi32>
    %add3A_500 = arith.addi %mul3A_499, %max3A_491 : vector<16x64x320xi32>
    %mul3A_501 = arith.constant 5 : i32
    %mul3A_502 = vector.broadcast %mul3A_501 : i32 to vector<16x64x320xi32>
    %mul3A_503 = arith.muli %add3A_500, %mul3A_502 : vector<16x64x320xi32>
    %add3A_504 = arith.addi %mul3A_496, %mul3A_503 : vector<16x64x320xi32>
    %add3A_505 = arith.addi %add3A_504, %sub3A_489 : vector<16x64x320xi32>
    %xor3A_506 = arith.xori %get3A_39, %get3A_43 : i32
    %xor3A_507 = arith.constant 466688986 : i32
    %xor3A_508 = arith.xori %xor3A_506, %xor3A_507 : i32
    %broadcast_in_dim3A_509 = arith.constant 0 : i32
    %broadcast_in_dim3A_510 = vector.broadcast %broadcast_in_dim3A_509 : i32 to vector<16x64x320xi32>
    %add3A_511 = vector.broadcast %get3A_39 : i32 to vector<16x64x320xi32>
    %add3A_512 = arith.addi %broadcast_in_dim3A_510, %add3A_511 : vector<16x64x320xi32>
    %add3A_513 = vector.broadcast %get3A_43 : i32 to vector<16x64x320xi32>
    %add3A_514 = arith.addi %add3A_505, %add3A_513 : vector<16x64x320xi32>
    %add3A_515 = arith.addi %add3A_512, %add3A_514 : vector<16x64x320xi32>
    %shift_left3A_516 = arith.constant 13 : i32
    %shift_left3A_517 = vector.broadcast %shift_left3A_516 : i32 to vector<16x64x320xi32>
    %shift_left3A_518 = arith.shli %add3A_514, %shift_left3A_517 : vector<16x64x320xi32>
    %shift_right_logical3A_519 = arith.constant 19 : i32
    %shift_right_logical3A_520 = vector.broadcast %shift_right_logical3A_519 : i32 to vector<16x64x320xi32>
    %shift_right_logical3A_521 = arith.shrui %add3A_514, %shift_right_logical3A_520 : vector<16x64x320xi32>
    %or3A_522 = arith.ori %shift_left3A_518, %shift_right_logical3A_521 : vector<16x64x320xi32>
    %xor3A_523 = arith.xori %or3A_522, %add3A_515 : vector<16x64x320xi32>
    %add3A_524 = arith.addi %add3A_515, %xor3A_523 : vector<16x64x320xi32>
    %shift_left3A_525 = arith.constant 15 : i32
    %shift_left3A_526 = vector.broadcast %shift_left3A_525 : i32 to vector<16x64x320xi32>
    %shift_left3A_527 = arith.shli %xor3A_523, %shift_left3A_526 : vector<16x64x320xi32>
    %shift_right_logical3A_528 = arith.constant 17 : i32
    %shift_right_logical3A_529 = vector.broadcast %shift_right_logical3A_528 : i32 to vector<16x64x320xi32>
    %shift_right_logical3A_530 = arith.shrui %xor3A_523, %shift_right_logical3A_529 : vector<16x64x320xi32>
    %or3A_531 = arith.ori %shift_left3A_527, %shift_right_logical3A_530 : vector<16x64x320xi32>
    %xor3A_532 = arith.xori %or3A_531, %add3A_524 : vector<16x64x320xi32>
    %add3A_533 = arith.addi %add3A_524, %xor3A_532 : vector<16x64x320xi32>
    %shift_left3A_534 = arith.constant 26 : i32
    %shift_left3A_535 = vector.broadcast %shift_left3A_534 : i32 to vector<16x64x320xi32>
    %shift_left3A_536 = arith.shli %xor3A_532, %shift_left3A_535 : vector<16x64x320xi32>
    %shift_right_logical3A_537 = arith.constant 6 : i32
    %shift_right_logical3A_538 = vector.broadcast %shift_right_logical3A_537 : i32 to vector<16x64x320xi32>
    %shift_right_logical3A_539 = arith.shrui %xor3A_532, %shift_right_logical3A_538 : vector<16x64x320xi32>
    %or3A_540 = arith.ori %shift_left3A_536, %shift_right_logical3A_539 : vector<16x64x320xi32>
    %xor3A_541 = arith.xori %or3A_540, %add3A_533 : vector<16x64x320xi32>
    %add3A_542 = arith.addi %add3A_533, %xor3A_541 : vector<16x64x320xi32>
    %shift_left3A_543 = arith.constant 6 : i32
    %shift_left3A_544 = vector.broadcast %shift_left3A_543 : i32 to vector<16x64x320xi32>
    %shift_left3A_545 = arith.shli %xor3A_541, %shift_left3A_544 : vector<16x64x320xi32>
    %shift_right_logical3A_546 = arith.constant 26 : i32
    %shift_right_logical3A_547 = vector.broadcast %shift_right_logical3A_546 : i32 to vector<16x64x320xi32>
    %shift_right_logical3A_548 = arith.shrui %xor3A_541, %shift_right_logical3A_547 : vector<16x64x320xi32>
    %or3A_549 = arith.ori %shift_left3A_545, %shift_right_logical3A_548 : vector<16x64x320xi32>
    %xor3A_550 = arith.xori %or3A_549, %add3A_542 : vector<16x64x320xi32>
    %add3A_551 = vector.broadcast %get3A_43 : i32 to vector<16x64x320xi32>
    %add3A_552 = arith.addi %add3A_542, %add3A_551 : vector<16x64x320xi32>
    %add3A_553 = vector.broadcast %xor3A_508 : i32 to vector<16x64x320xi32>
    %add3A_554 = arith.addi %xor3A_550, %add3A_553 : vector<16x64x320xi32>
    %add3A_555 = arith.constant 1 : i32
    %add3A_556 = vector.broadcast %add3A_555 : i32 to vector<16x64x320xi32>
    %add3A_557 = arith.addi %add3A_554, %add3A_556 : vector<16x64x320xi32>
    %add3A_558 = arith.addi %add3A_552, %add3A_557 : vector<16x64x320xi32>
    %shift_left3A_559 = arith.constant 17 : i32
    %shift_left3A_560 = vector.broadcast %shift_left3A_559 : i32 to vector<16x64x320xi32>
    %shift_left3A_561 = arith.shli %add3A_557, %shift_left3A_560 : vector<16x64x320xi32>
    %shift_right_logical3A_562 = arith.constant 15 : i32
    %shift_right_logical3A_563 = vector.broadcast %shift_right_logical3A_562 : i32 to vector<16x64x320xi32>
    %shift_right_logical3A_564 = arith.shrui %add3A_557, %shift_right_logical3A_563 : vector<16x64x320xi32>
    %or3A_565 = arith.ori %shift_left3A_561, %shift_right_logical3A_564 : vector<16x64x320xi32>
    %xor3A_566 = arith.xori %or3A_565, %add3A_558 : vector<16x64x320xi32>
    %add3A_567 = arith.addi %add3A_558, %xor3A_566 : vector<16x64x320xi32>
    %shift_left3A_568 = arith.constant 29 : i32
    %shift_left3A_569 = vector.broadcast %shift_left3A_568 : i32 to vector<16x64x320xi32>
    %shift_left3A_570 = arith.shli %xor3A_566, %shift_left3A_569 : vector<16x64x320xi32>
    %shift_right_logical3A_571 = arith.constant 3 : i32
    %shift_right_logical3A_572 = vector.broadcast %shift_right_logical3A_571 : i32 to vector<16x64x320xi32>
    %shift_right_logical3A_573 = arith.shrui %xor3A_566, %shift_right_logical3A_572 : vector<16x64x320xi32>
    %or3A_574 = arith.ori %shift_left3A_570, %shift_right_logical3A_573 : vector<16x64x320xi32>
    %xor3A_575 = arith.xori %or3A_574, %add3A_567 : vector<16x64x320xi32>
    %add3A_576 = arith.addi %add3A_567, %xor3A_575 : vector<16x64x320xi32>
    %shift_left3A_577 = arith.constant 16 : i32
    %shift_left3A_578 = vector.broadcast %shift_left3A_577 : i32 to vector<16x64x320xi32>
    %shift_left3A_579 = arith.shli %xor3A_575, %shift_left3A_578 : vector<16x64x320xi32>
    %shift_right_logical3A_580 = arith.constant 16 : i32
    %shift_right_logical3A_581 = vector.broadcast %shift_right_logical3A_580 : i32 to vector<16x64x320xi32>
    %shift_right_logical3A_582 = arith.shrui %xor3A_575, %shift_right_logical3A_581 : vector<16x64x320xi32>
    %or3A_583 = arith.ori %shift_left3A_579, %shift_right_logical3A_582 : vector<16x64x320xi32>
    %xor3A_584 = arith.xori %or3A_583, %add3A_576 : vector<16x64x320xi32>
    %add3A_585 = arith.addi %add3A_576, %xor3A_584 : vector<16x64x320xi32>
    %shift_left3A_586 = arith.constant 24 : i32
    %shift_left3A_587 = vector.broadcast %shift_left3A_586 : i32 to vector<16x64x320xi32>
    %shift_left3A_588 = arith.shli %xor3A_584, %shift_left3A_587 : vector<16x64x320xi32>
    %shift_right_logical3A_589 = arith.constant 8 : i32
    %shift_right_logical3A_590 = vector.broadcast %shift_right_logical3A_589 : i32 to vector<16x64x320xi32>
    %shift_right_logical3A_591 = arith.shrui %xor3A_584, %shift_right_logical3A_590 : vector<16x64x320xi32>
    %or3A_592 = arith.ori %shift_left3A_588, %shift_right_logical3A_591 : vector<16x64x320xi32>
    %xor3A_593 = arith.xori %or3A_592, %add3A_585 : vector<16x64x320xi32>
    %add3A_594 = vector.broadcast %xor3A_508 : i32 to vector<16x64x320xi32>
    %add3A_595 = arith.addi %add3A_585, %add3A_594 : vector<16x64x320xi32>
    %add3A_596 = vector.broadcast %get3A_39 : i32 to vector<16x64x320xi32>
    %add3A_597 = arith.addi %xor3A_593, %add3A_596 : vector<16x64x320xi32>
    %add3A_598 = arith.constant 2 : i32
    %add3A_599 = vector.broadcast %add3A_598 : i32 to vector<16x64x320xi32>
    %add3A_600 = arith.addi %add3A_597, %add3A_599 : vector<16x64x320xi32>
    %add3A_601 = arith.addi %add3A_595, %add3A_600 : vector<16x64x320xi32>
    %shift_left3A_602 = arith.constant 13 : i32
    %shift_left3A_603 = vector.broadcast %shift_left3A_602 : i32 to vector<16x64x320xi32>
    %shift_left3A_604 = arith.shli %add3A_600, %shift_left3A_603 : vector<16x64x320xi32>
    %shift_right_logical3A_605 = arith.constant 19 : i32
    %shift_right_logical3A_606 = vector.broadcast %shift_right_logical3A_605 : i32 to vector<16x64x320xi32>
    %shift_right_logical3A_607 = arith.shrui %add3A_600, %shift_right_logical3A_606 : vector<16x64x320xi32>
    %or3A_608 = arith.ori %shift_left3A_604, %shift_right_logical3A_607 : vector<16x64x320xi32>
    %xor3A_609 = arith.xori %or3A_608, %add3A_601 : vector<16x64x320xi32>
    %add3A_610 = arith.addi %add3A_601, %xor3A_609 : vector<16x64x320xi32>
    %shift_left3A_611 = arith.constant 15 : i32
    %shift_left3A_612 = vector.broadcast %shift_left3A_611 : i32 to vector<16x64x320xi32>
    %shift_left3A_613 = arith.shli %xor3A_609, %shift_left3A_612 : vector<16x64x320xi32>
    %shift_right_logical3A_614 = arith.constant 17 : i32
    %shift_right_logical3A_615 = vector.broadcast %shift_right_logical3A_614 : i32 to vector<16x64x320xi32>
    %shift_right_logical3A_616 = arith.shrui %xor3A_609, %shift_right_logical3A_615 : vector<16x64x320xi32>
    %or3A_617 = arith.ori %shift_left3A_613, %shift_right_logical3A_616 : vector<16x64x320xi32>
    %xor3A_618 = arith.xori %or3A_617, %add3A_610 : vector<16x64x320xi32>
    %add3A_619 = arith.addi %add3A_610, %xor3A_618 : vector<16x64x320xi32>
    %shift_left3A_620 = arith.constant 26 : i32
    %shift_left3A_621 = vector.broadcast %shift_left3A_620 : i32 to vector<16x64x320xi32>
    %shift_left3A_622 = arith.shli %xor3A_618, %shift_left3A_621 : vector<16x64x320xi32>
    %shift_right_logical3A_623 = arith.constant 6 : i32
    %shift_right_logical3A_624 = vector.broadcast %shift_right_logical3A_623 : i32 to vector<16x64x320xi32>
    %shift_right_logical3A_625 = arith.shrui %xor3A_618, %shift_right_logical3A_624 : vector<16x64x320xi32>
    %or3A_626 = arith.ori %shift_left3A_622, %shift_right_logical3A_625 : vector<16x64x320xi32>
    %xor3A_627 = arith.xori %or3A_626, %add3A_619 : vector<16x64x320xi32>
    %add3A_628 = arith.addi %add3A_619, %xor3A_627 : vector<16x64x320xi32>
    %shift_left3A_629 = arith.constant 6 : i32
    %shift_left3A_630 = vector.broadcast %shift_left3A_629 : i32 to vector<16x64x320xi32>
    %shift_left3A_631 = arith.shli %xor3A_627, %shift_left3A_630 : vector<16x64x320xi32>
    %shift_right_logical3A_632 = arith.constant 26 : i32
    %shift_right_logical3A_633 = vector.broadcast %shift_right_logical3A_632 : i32 to vector<16x64x320xi32>
    %shift_right_logical3A_634 = arith.shrui %xor3A_627, %shift_right_logical3A_633 : vector<16x64x320xi32>
    %or3A_635 = arith.ori %shift_left3A_631, %shift_right_logical3A_634 : vector<16x64x320xi32>
    %xor3A_636 = arith.xori %or3A_635, %add3A_628 : vector<16x64x320xi32>
    %add3A_637 = vector.broadcast %get3A_39 : i32 to vector<16x64x320xi32>
    %add3A_638 = arith.addi %add3A_628, %add3A_637 : vector<16x64x320xi32>
    %add3A_639 = vector.broadcast %get3A_43 : i32 to vector<16x64x320xi32>
    %add3A_640 = arith.addi %xor3A_636, %add3A_639 : vector<16x64x320xi32>
    %add3A_641 = arith.constant 3 : i32
    %add3A_642 = vector.broadcast %add3A_641 : i32 to vector<16x64x320xi32>
    %add3A_643 = arith.addi %add3A_640, %add3A_642 : vector<16x64x320xi32>
    %add3A_644 = arith.addi %add3A_638, %add3A_643 : vector<16x64x320xi32>
    %shift_left3A_645 = arith.constant 17 : i32
    %shift_left3A_646 = vector.broadcast %shift_left3A_645 : i32 to vector<16x64x320xi32>
    %shift_left3A_647 = arith.shli %add3A_643, %shift_left3A_646 : vector<16x64x320xi32>
    %shift_right_logical3A_648 = arith.constant 15 : i32
    %shift_right_logical3A_649 = vector.broadcast %shift_right_logical3A_648 : i32 to vector<16x64x320xi32>
    %shift_right_logical3A_650 = arith.shrui %add3A_643, %shift_right_logical3A_649 : vector<16x64x320xi32>
    %or3A_651 = arith.ori %shift_left3A_647, %shift_right_logical3A_650 : vector<16x64x320xi32>
    %xor3A_652 = arith.xori %or3A_651, %add3A_644 : vector<16x64x320xi32>
    %add3A_653 = arith.addi %add3A_644, %xor3A_652 : vector<16x64x320xi32>
    %shift_left3A_654 = arith.constant 29 : i32
    %shift_left3A_655 = vector.broadcast %shift_left3A_654 : i32 to vector<16x64x320xi32>
    %shift_left3A_656 = arith.shli %xor3A_652, %shift_left3A_655 : vector<16x64x320xi32>
    %shift_right_logical3A_657 = arith.constant 3 : i32
    %shift_right_logical3A_658 = vector.broadcast %shift_right_logical3A_657 : i32 to vector<16x64x320xi32>
    %shift_right_logical3A_659 = arith.shrui %xor3A_652, %shift_right_logical3A_658 : vector<16x64x320xi32>
    %or3A_660 = arith.ori %shift_left3A_656, %shift_right_logical3A_659 : vector<16x64x320xi32>
    %xor3A_661 = arith.xori %or3A_660, %add3A_653 : vector<16x64x320xi32>
    %add3A_662 = arith.addi %add3A_653, %xor3A_661 : vector<16x64x320xi32>
    %shift_left3A_663 = arith.constant 16 : i32
    %shift_left3A_664 = vector.broadcast %shift_left3A_663 : i32 to vector<16x64x320xi32>
    %shift_left3A_665 = arith.shli %xor3A_661, %shift_left3A_664 : vector<16x64x320xi32>
    %shift_right_logical3A_666 = arith.constant 16 : i32
    %shift_right_logical3A_667 = vector.broadcast %shift_right_logical3A_666 : i32 to vector<16x64x320xi32>
    %shift_right_logical3A_668 = arith.shrui %xor3A_661, %shift_right_logical3A_667 : vector<16x64x320xi32>
    %or3A_669 = arith.ori %shift_left3A_665, %shift_right_logical3A_668 : vector<16x64x320xi32>
    %xor3A_670 = arith.xori %or3A_669, %add3A_662 : vector<16x64x320xi32>
    %add3A_671 = arith.addi %add3A_662, %xor3A_670 : vector<16x64x320xi32>
    %shift_left3A_672 = arith.constant 24 : i32
    %shift_left3A_673 = vector.broadcast %shift_left3A_672 : i32 to vector<16x64x320xi32>
    %shift_left3A_674 = arith.shli %xor3A_670, %shift_left3A_673 : vector<16x64x320xi32>
    %shift_right_logical3A_675 = arith.constant 8 : i32
    %shift_right_logical3A_676 = vector.broadcast %shift_right_logical3A_675 : i32 to vector<16x64x320xi32>
    %shift_right_logical3A_677 = arith.shrui %xor3A_670, %shift_right_logical3A_676 : vector<16x64x320xi32>
    %or3A_678 = arith.ori %shift_left3A_674, %shift_right_logical3A_677 : vector<16x64x320xi32>
    %xor3A_679 = arith.xori %or3A_678, %add3A_671 : vector<16x64x320xi32>
    %add3A_680 = vector.broadcast %get3A_43 : i32 to vector<16x64x320xi32>
    %add3A_681 = arith.addi %add3A_671, %add3A_680 : vector<16x64x320xi32>
    %add3A_682 = vector.broadcast %xor3A_508 : i32 to vector<16x64x320xi32>
    %add3A_683 = arith.addi %xor3A_679, %add3A_682 : vector<16x64x320xi32>
    %add3A_684 = arith.constant 4 : i32
    %add3A_685 = vector.broadcast %add3A_684 : i32 to vector<16x64x320xi32>
    %add3A_686 = arith.addi %add3A_683, %add3A_685 : vector<16x64x320xi32>
    %add3A_687 = arith.addi %add3A_681, %add3A_686 : vector<16x64x320xi32>
    %shift_left3A_688 = arith.constant 13 : i32
    %shift_left3A_689 = vector.broadcast %shift_left3A_688 : i32 to vector<16x64x320xi32>
    %shift_left3A_690 = arith.shli %add3A_686, %shift_left3A_689 : vector<16x64x320xi32>
    %shift_right_logical3A_691 = arith.constant 19 : i32
    %shift_right_logical3A_692 = vector.broadcast %shift_right_logical3A_691 : i32 to vector<16x64x320xi32>
    %shift_right_logical3A_693 = arith.shrui %add3A_686, %shift_right_logical3A_692 : vector<16x64x320xi32>
    %or3A_694 = arith.ori %shift_left3A_690, %shift_right_logical3A_693 : vector<16x64x320xi32>
    %xor3A_695 = arith.xori %or3A_694, %add3A_687 : vector<16x64x320xi32>
    %add3A_696 = arith.addi %add3A_687, %xor3A_695 : vector<16x64x320xi32>
    %shift_left3A_697 = arith.constant 15 : i32
    %shift_left3A_698 = vector.broadcast %shift_left3A_697 : i32 to vector<16x64x320xi32>
    %shift_left3A_699 = arith.shli %xor3A_695, %shift_left3A_698 : vector<16x64x320xi32>
    %shift_right_logical3A_700 = arith.constant 17 : i32
    %shift_right_logical3A_701 = vector.broadcast %shift_right_logical3A_700 : i32 to vector<16x64x320xi32>
    %shift_right_logical3A_702 = arith.shrui %xor3A_695, %shift_right_logical3A_701 : vector<16x64x320xi32>
    %or3A_703 = arith.ori %shift_left3A_699, %shift_right_logical3A_702 : vector<16x64x320xi32>
    %xor3A_704 = arith.xori %or3A_703, %add3A_696 : vector<16x64x320xi32>
    %add3A_705 = arith.addi %add3A_696, %xor3A_704 : vector<16x64x320xi32>
    %shift_left3A_706 = arith.constant 26 : i32
    %shift_left3A_707 = vector.broadcast %shift_left3A_706 : i32 to vector<16x64x320xi32>
    %shift_left3A_708 = arith.shli %xor3A_704, %shift_left3A_707 : vector<16x64x320xi32>
    %shift_right_logical3A_709 = arith.constant 6 : i32
    %shift_right_logical3A_710 = vector.broadcast %shift_right_logical3A_709 : i32 to vector<16x64x320xi32>
    %shift_right_logical3A_711 = arith.shrui %xor3A_704, %shift_right_logical3A_710 : vector<16x64x320xi32>
    %or3A_712 = arith.ori %shift_left3A_708, %shift_right_logical3A_711 : vector<16x64x320xi32>
    %xor3A_713 = arith.xori %or3A_712, %add3A_705 : vector<16x64x320xi32>
    %add3A_714 = arith.addi %add3A_705, %xor3A_713 : vector<16x64x320xi32>
    %shift_left3A_715 = arith.constant 6 : i32
    %shift_left3A_716 = vector.broadcast %shift_left3A_715 : i32 to vector<16x64x320xi32>
    %shift_left3A_717 = arith.shli %xor3A_713, %shift_left3A_716 : vector<16x64x320xi32>
    %shift_right_logical3A_718 = arith.constant 26 : i32
    %shift_right_logical3A_719 = vector.broadcast %shift_right_logical3A_718 : i32 to vector<16x64x320xi32>
    %shift_right_logical3A_720 = arith.shrui %xor3A_713, %shift_right_logical3A_719 : vector<16x64x320xi32>
    %or3A_721 = arith.ori %shift_left3A_717, %shift_right_logical3A_720 : vector<16x64x320xi32>
    %xor3A_722 = arith.xori %or3A_721, %add3A_714 : vector<16x64x320xi32>
    %add3A_723 = vector.broadcast %xor3A_508 : i32 to vector<16x64x320xi32>
    %add3A_724 = arith.addi %add3A_714, %add3A_723 : vector<16x64x320xi32>
    %add3A_725 = vector.broadcast %get3A_39 : i32 to vector<16x64x320xi32>
    %add3A_726 = arith.addi %xor3A_722, %add3A_725 : vector<16x64x320xi32>
    %add3A_727 = arith.constant 5 : i32
    %add3A_728 = vector.broadcast %add3A_727 : i32 to vector<16x64x320xi32>
    %add3A_729 = arith.addi %add3A_726, %add3A_728 : vector<16x64x320xi32>
    %xor3A_730 = arith.xori %add3A_724, %add3A_729 : vector<16x64x320xi32>
    %shift_right_logical3A_731 = arith.constant 9 : i32
    %shift_right_logical3A_732 = vector.broadcast %shift_right_logical3A_731 : i32 to vector<16x64x320xi32>
    %shift_right_logical3A_733 = arith.shrui %xor3A_730, %shift_right_logical3A_732 : vector<16x64x320xi32>
    %or3A_734 = arith.constant 1065353216 : i32
    %or3A_735 = vector.broadcast %or3A_734 : i32 to vector<16x64x320xi32>
    %or3A_736 = arith.ori %shift_right_logical3A_733, %or3A_735 : vector<16x64x320xi32>
    %bitcast_convert_type3A_737 = tpu.bitcast %or3A_736 : vector<16x64x320xi32> -> vector<16x64x320xf32>
    %sub3A_738 = arith.constant 1.000000e+00 : f32
    %sub3A_739 = vector.broadcast %sub3A_738 : f32 to vector<16x64x320xf32>
    %sub3A_740 = arith.subf %bitcast_convert_type3A_737, %sub3A_739 : vector<16x64x320xf32>
    %max3A_741 = arith.constant 1.17549435E-38 : f32
    %max3A_742 = vector.broadcast %max3A_741 : f32 to vector<16x64x320xf32>
    %max3A_743 = arith.maximumf %sub3A_740, %max3A_742 : vector<16x64x320xf32>
    %log3A_744 = math.log %max3A_743 : vector<16x64x320xf32>
    %neg3A_745 = arith.constant 0.000000e+00 : f32
    %neg3A_746 = vector.broadcast %neg3A_745 : f32 to vector<16x64x320xf32>
    %neg3A_747 = arith.subf %neg3A_746, %log3A_744 : vector<16x64x320xf32>
    %log3A_748 = math.log %neg3A_747 : vector<16x64x320xf32>
    %neg3A_749 = arith.constant 0.000000e+00 : f32
    %neg3A_750 = vector.broadcast %neg3A_749 : f32 to vector<16x64x320xf32>
    %neg3A_751 = arith.subf %neg3A_750, %log3A_748 : vector<16x64x320xf32>
    %log3A_752 = math.log %min3A_453 : vector<16x64x320xf32>
    %add3A_753 = arith.addf %neg3A_751, %log3A_752 : vector<16x64x320xf32>
    %iota3A_754 = tpu.iota {dimensions = array<i32: 2>} : vector<16x64x320xi32>
    %jit3A_755 = arith.constant 5 : i32
    %eq3A_756 = arith.constant 0 : i32
    %eq3A_757 = arith.cmpi eq, %jit3A_755, %eq3A_756 : i32
    %jit3A_758 = arith.constant 1 : i32
    %select_n3A_759 = arith.select %eq3A_757, %jit3A_758, %jit3A_755 : i32
    %rem3A_760 = vector.broadcast %select_n3A_759 : i32 to vector<16x64x320xi32>
    %rem3A_761 = arith.remsi %iota3A_754, %rem3A_760 : vector<16x64x320xi32>
    %ne3A_762 = arith.constant 0 : i32
    %ne3A_763 = vector.broadcast %ne3A_762 : i32 to vector<16x64x320xi32>
    %ne3A_764 = arith.cmpi ne, %rem3A_761, %ne3A_763 : vector<16x64x320xi32>
    %lt3A_765 = arith.constant 0 : i32
    %lt3A_766 = vector.broadcast %lt3A_765 : i32 to vector<16x64x320xi32>
    %lt3A_767 = arith.cmpi slt, %rem3A_761, %lt3A_766 : vector<16x64x320xi32>
    %lt3A_768 = arith.constant 0 : i32
    %lt3A_769 = arith.cmpi slt, %select_n3A_759, %lt3A_768 : i32
    %ne3A_770 = vector.broadcast %lt3A_769 : i1 to vector<16x64x320xi1>
    %ne3A_771 = vector.broadcast %ne3A_770 : vector<16x64x320xi1> to vector<16x64x320xi1>
    %ne3A_772 = arith.xori %lt3A_767, %ne3A_771 : vector<16x64x320xi1>
    %and3A_773 = arith.andi %ne3A_772, %ne3A_764 : vector<16x64x320xi1>
    %add3A_774 = vector.broadcast %select_n3A_759 : i32 to vector<16x64x320xi32>
    %add3A_775 = arith.addi %rem3A_761, %add3A_774 : vector<16x64x320xi32>
    %select_n3A_776 = arith.select %and3A_773, %add3A_775, %rem3A_761 : vector<16x64x320xi1>, vector<16x64x320xi32>
    %ge3A_777 = arith.constant 1 : i32
    %ge3A_778 = vector.broadcast %ge3A_777 : i32 to vector<16x64x320xi32>
    %ge3A_779 = arith.cmpi sge, %select_n3A_776, %ge3A_778 : vector<16x64x320xi32>
    %slice3A_780 = vector.extract_strided_slice %add3A_753 {offsets = [0, 0, 319], sizes = [16, 64, 1], strides = [1, 1, 1]} : vector<16x64x320xf32> to vector<16x64x1xf32>
    %slice3A_781 = vector.extract_strided_slice %add3A_753 {offsets = [0, 0, 0], sizes = [16, 64, 319], strides = [1, 1, 1]} : vector<16x64x320xf32> to vector<16x64x319xf32>
    %concatenate3A_782 = tpu.concatenate %slice3A_780, %slice3A_781 in 2 : vector<16x64x1xf32>, vector<16x64x319xf32> -> vector<16x64x320xf32>
    %jit3A_783 = arith.constant 0xFF800000 : f32
    %broadcast_in_dim3A_784 = vector.broadcast %jit3A_783 : f32 to vector<16x64x320xf32>
    %select_n3A_785 = arith.select %ge3A_779, %concatenate3A_782, %broadcast_in_dim3A_784 : vector<16x64x320xi1>, vector<16x64x320xf32>
    %max3A_786 = arith.maximumf %add3A_753, %select_n3A_785 : vector<16x64x320xf32>
    %ge3A_787 = arith.constant 2 : i32
    %ge3A_788 = vector.broadcast %ge3A_787 : i32 to vector<16x64x320xi32>
    %ge3A_789 = arith.cmpi sge, %select_n3A_776, %ge3A_788 : vector<16x64x320xi32>
    %slice3A_790 = vector.extract_strided_slice %max3A_786 {offsets = [0, 0, 318], sizes = [16, 64, 2], strides = [1, 1, 1]} : vector<16x64x320xf32> to vector<16x64x2xf32>
    %slice3A_791 = vector.extract_strided_slice %max3A_786 {offsets = [0, 0, 0], sizes = [16, 64, 318], strides = [1, 1, 1]} : vector<16x64x320xf32> to vector<16x64x318xf32>
    %concatenate3A_792 = tpu.concatenate %slice3A_790, %slice3A_791 in 2 : vector<16x64x2xf32>, vector<16x64x318xf32> -> vector<16x64x320xf32>
    %jit3A_793 = arith.constant 0xFF800000 : f32
    %broadcast_in_dim3A_794 = vector.broadcast %jit3A_793 : f32 to vector<16x64x320xf32>
    %select_n3A_795 = arith.select %ge3A_789, %concatenate3A_792, %broadcast_in_dim3A_794 : vector<16x64x320xi1>, vector<16x64x320xf32>
    %max3A_796 = arith.maximumf %max3A_786, %select_n3A_795 : vector<16x64x320xf32>
    %ge3A_797 = arith.constant 4 : i32
    %ge3A_798 = vector.broadcast %ge3A_797 : i32 to vector<16x64x320xi32>
    %ge3A_799 = arith.cmpi sge, %select_n3A_776, %ge3A_798 : vector<16x64x320xi32>
    %slice3A_800 = vector.extract_strided_slice %max3A_796 {offsets = [0, 0, 316], sizes = [16, 64, 4], strides = [1, 1, 1]} : vector<16x64x320xf32> to vector<16x64x4xf32>
    %slice3A_801 = vector.extract_strided_slice %max3A_796 {offsets = [0, 0, 0], sizes = [16, 64, 316], strides = [1, 1, 1]} : vector<16x64x320xf32> to vector<16x64x316xf32>
    %concatenate3A_802 = tpu.concatenate %slice3A_800, %slice3A_801 in 2 : vector<16x64x4xf32>, vector<16x64x316xf32> -> vector<16x64x320xf32>
    %jit3A_803 = arith.constant 0xFF800000 : f32
    %broadcast_in_dim3A_804 = vector.broadcast %jit3A_803 : f32 to vector<16x64x320xf32>
    %select_n3A_805 = arith.select %ge3A_799, %concatenate3A_802, %broadcast_in_dim3A_804 : vector<16x64x320xi1>, vector<16x64x320xf32>
    %max3A_806 = arith.maximumf %max3A_796, %select_n3A_805 : vector<16x64x320xf32>
    %ge3A_807 = arith.constant 1 : i32
    %ge3A_808 = vector.broadcast %ge3A_807 : i32 to vector<16x64x320xi32>
    %ge3A_809 = arith.cmpi sge, %select_n3A_776, %ge3A_808 : vector<16x64x320xi32>
    %slice3A_810 = vector.extract_strided_slice %max3A_806 {offsets = [0, 0, 319], sizes = [16, 64, 1], strides = [1, 1, 1]} : vector<16x64x320xf32> to vector<16x64x1xf32>
    %slice3A_811 = vector.extract_strided_slice %max3A_806 {offsets = [0, 0, 0], sizes = [16, 64, 319], strides = [1, 1, 1]} : vector<16x64x320xf32> to vector<16x64x319xf32>
    %concatenate3A_812 = tpu.concatenate %slice3A_810, %slice3A_811 in 2 : vector<16x64x1xf32>, vector<16x64x319xf32> -> vector<16x64x320xf32>
    %jit3A_813 = arith.constant 0xFF800000 : f32
    %broadcast_in_dim3A_814 = vector.broadcast %jit3A_813 : f32 to vector<16x64x320xf32>
    %select_n3A_815 = arith.select %ge3A_809, %concatenate3A_812, %broadcast_in_dim3A_814 : vector<16x64x320xi1>, vector<16x64x320xf32>
    %lt3A_816 = arith.constant 4 : i32
    %lt3A_817 = vector.broadcast %lt3A_816 : i32 to vector<16x64x320xi32>
    %lt3A_818 = arith.cmpi slt, %select_n3A_776, %lt3A_817 : vector<16x64x320xi32>
    %slice3A_819 = vector.extract_strided_slice %add3A_753 {offsets = [0, 0, 1], sizes = [16, 64, 319], strides = [1, 1, 1]} : vector<16x64x320xf32> to vector<16x64x319xf32>
    %slice3A_820 = vector.extract_strided_slice %add3A_753 {offsets = [0, 0, 0], sizes = [16, 64, 1], strides = [1, 1, 1]} : vector<16x64x320xf32> to vector<16x64x1xf32>
    %concatenate3A_821 = tpu.concatenate %slice3A_819, %slice3A_820 in 2 : vector<16x64x319xf32>, vector<16x64x1xf32> -> vector<16x64x320xf32>
    %jit3A_822 = arith.constant 0xFF800000 : f32
    %broadcast_in_dim3A_823 = vector.broadcast %jit3A_822 : f32 to vector<16x64x320xf32>
    %select_n3A_824 = arith.select %lt3A_818, %concatenate3A_821, %broadcast_in_dim3A_823 : vector<16x64x320xi1>, vector<16x64x320xf32>
    %max3A_825 = arith.maximumf %add3A_753, %select_n3A_824 : vector<16x64x320xf32>
    %lt3A_826 = arith.constant 3 : i32
    %lt3A_827 = vector.broadcast %lt3A_826 : i32 to vector<16x64x320xi32>
    %lt3A_828 = arith.cmpi slt, %select_n3A_776, %lt3A_827 : vector<16x64x320xi32>
    %slice3A_829 = vector.extract_strided_slice %max3A_825 {offsets = [0, 0, 2], sizes = [16, 64, 318], strides = [1, 1, 1]} : vector<16x64x320xf32> to vector<16x64x318xf32>
    %slice3A_830 = vector.extract_strided_slice %max3A_825 {offsets = [0, 0, 0], sizes = [16, 64, 2], strides = [1, 1, 1]} : vector<16x64x320xf32> to vector<16x64x2xf32>
    %concatenate3A_831 = tpu.concatenate %slice3A_829, %slice3A_830 in 2 : vector<16x64x318xf32>, vector<16x64x2xf32> -> vector<16x64x320xf32>
    %jit3A_832 = arith.constant 0xFF800000 : f32
    %broadcast_in_dim3A_833 = vector.broadcast %jit3A_832 : f32 to vector<16x64x320xf32>
    %select_n3A_834 = arith.select %lt3A_828, %concatenate3A_831, %broadcast_in_dim3A_833 : vector<16x64x320xi1>, vector<16x64x320xf32>
    %max3A_835 = arith.maximumf %max3A_825, %select_n3A_834 : vector<16x64x320xf32>
    %lt3A_836 = arith.constant 1 : i32
    %lt3A_837 = vector.broadcast %lt3A_836 : i32 to vector<16x64x320xi32>
    %lt3A_838 = arith.cmpi slt, %select_n3A_776, %lt3A_837 : vector<16x64x320xi32>
    %slice3A_839 = vector.extract_strided_slice %max3A_835 {offsets = [0, 0, 4], sizes = [16, 64, 316], strides = [1, 1, 1]} : vector<16x64x320xf32> to vector<16x64x316xf32>
    %slice3A_840 = vector.extract_strided_slice %max3A_835 {offsets = [0, 0, 0], sizes = [16, 64, 4], strides = [1, 1, 1]} : vector<16x64x320xf32> to vector<16x64x4xf32>
    %concatenate3A_841 = tpu.concatenate %slice3A_839, %slice3A_840 in 2 : vector<16x64x316xf32>, vector<16x64x4xf32> -> vector<16x64x320xf32>
    %jit3A_842 = arith.constant 0xFF800000 : f32
    %broadcast_in_dim3A_843 = vector.broadcast %jit3A_842 : f32 to vector<16x64x320xf32>
    %select_n3A_844 = arith.select %lt3A_838, %concatenate3A_841, %broadcast_in_dim3A_843 : vector<16x64x320xi1>, vector<16x64x320xf32>
    %max3A_845 = arith.maximumf %max3A_835, %select_n3A_844 : vector<16x64x320xf32>
    %le3A_846 = arith.constant 3 : i32
    %le3A_847 = vector.broadcast %le3A_846 : i32 to vector<16x64x320xi32>
    %le3A_848 = arith.cmpi sle, %select_n3A_776, %le3A_847 : vector<16x64x320xi32>
    %slice3A_849 = vector.extract_strided_slice %max3A_845 {offsets = [0, 0, 1], sizes = [16, 64, 319], strides = [1, 1, 1]} : vector<16x64x320xf32> to vector<16x64x319xf32>
    %slice3A_850 = vector.extract_strided_slice %max3A_845 {offsets = [0, 0, 0], sizes = [16, 64, 1], strides = [1, 1, 1]} : vector<16x64x320xf32> to vector<16x64x1xf32>
    %concatenate3A_851 = tpu.concatenate %slice3A_849, %slice3A_850 in 2 : vector<16x64x319xf32>, vector<16x64x1xf32> -> vector<16x64x320xf32>
    %jit3A_852 = arith.constant 0xFF800000 : f32
    %broadcast_in_dim3A_853 = vector.broadcast %jit3A_852 : f32 to vector<16x64x320xf32>
    %select_n3A_854 = arith.select %le3A_848, %concatenate3A_851, %broadcast_in_dim3A_853 : vector<16x64x320xi1>, vector<16x64x320xf32>
    %gt3A_855 = arith.cmpf ogt, %add3A_753, %select_n3A_815 : vector<16x64x320xf32>
    %ge3A_856 = arith.cmpf oge, %add3A_753, %select_n3A_854 : vector<16x64x320xf32>
    %and3A_857 = arith.andi %gt3A_855, %ge3A_856 : vector<16x64x320xi1>
    %eq3A_858 = arith.cmpi eq, %iota3A_455, %select_n3A_485 : vector<16x64x320xi32>
    %eq3A_859 = arith.constant 0 : i32
    %eq3A_860 = vector.broadcast %eq3A_859 : i32 to vector<16x64x320xi32>
    %eq3A_861 = arith.cmpi eq, %sub3A_489, %eq3A_860 : vector<16x64x320xi32>
    %jit3A_862 = arith.constant 1.000000e+00 : f32
    %jit3A_863 = arith.constant 0.000000e+00 : f32
    %broadcast_in_dim3A_864 = vector.broadcast %jit3A_862 : f32 to vector<16x64x320xf32>
    %broadcast_in_dim3A_865 = vector.broadcast %jit3A_863 : f32 to vector<16x64x320xf32>
    %select_n3A_866 = arith.select %eq3A_861, %broadcast_in_dim3A_864, %broadcast_in_dim3A_865 : vector<16x64x320xi1>, vector<16x64x320xf32>
    %jit3A_867 = arith.constant 1.000000e+00 : f32
    %jit3A_868 = arith.constant 0.000000e+00 : f32
    %broadcast_in_dim3A_869 = vector.broadcast %jit3A_867 : f32 to vector<16x64x320xf32>
    %broadcast_in_dim3A_870 = vector.broadcast %jit3A_868 : f32 to vector<16x64x320xf32>
    %select_n3A_871 = arith.select %and3A_857, %broadcast_in_dim3A_869, %broadcast_in_dim3A_870 : vector<16x64x320xi1>, vector<16x64x320xf32>
    %select_n3A_872 = arith.select %eq3A_858, %select_n3A_866, %select_n3A_871 : vector<16x64x320xi1>, vector<16x64x320xf32>
    %swap3A_873 = arith.constant 0 : index
    %swap3A_874 = arith.constant 0 : index
    %swap3A_875 = arith.constant 0 : index
    %swap3A_876 = vector.load %arg13[%swap3A_873, %swap3A_874, %swap3A_875] : memref<16x64x320xf32, #tpu.memory_space<vmem>>, vector<16x64x320xf32>
    tpu.vector_store %arg13[%swap3A_873, %swap3A_874, %swap3A_875], %select_n3A_872 {strides = array<i32>} : memref<16x64x320xf32, #tpu.memory_space<vmem>>, vector<16x64x320xf32>,
    %swap3A_877 = arith.constant 0 : index
    %swap3A_878 = arith.constant 0 : index
    %swap3A_879 = arith.constant 0 : index
    %swap3A_880 = arith.constant 0 : index
    %swap3A_881 = vector.load %arg9[%swap3A_877, %swap3A_878, %swap3A_879, %swap3A_880] : memref<16x1x64x320xf32, #tpu.memory_space<vmem>>, vector<16x1x64x320xf32>
    %swap3A_882 = vector.shape_cast %swap3A_881 : vector<16x1x64x320xf32> to vector<16x64x320xf32>
    %swap3A_883 = vector.shape_cast %select_n3A_872 : vector<16x64x320xf32> to vector<16x1x64x320xf32>
    tpu.vector_store %arg9[%swap3A_877, %swap3A_878, %swap3A_879, %swap3A_880], %swap3A_883 {strides = array<i32>} : memref<16x1x64x320xf32, #tpu.memory_space<vmem>>, vector<16x1x64x320xf32>,
    return
  }
  func.func @transform_0(%arg0: i32, %arg1: i32) -> (i32, i32, i32) {
    %c0_i32 = arith.constant 0 : i32
    %c0_i32_0 = arith.constant 0 : i32
    %c0_i32_1 = arith.constant 0 : i32
    return %arg0, %c0_i32, %c0_i32_0 : i32, i32, i32
  }
  func.func @transform_1(%arg0: i32, %arg1: i32) -> (i32, i32, i32) {
    %c0_i32 = arith.constant 0 : i32
    %c0_i32_0 = arith.constant 0 : i32
    %c0_i32_1 = arith.constant 0 : i32
    return %arg0, %c0_i32, %c0_i32_0 : i32, i32, i32
  }
  func.func @transform_2(%arg0: i32, %arg1: i32) -> (i32, i32, i32) {
    %c0_i32 = arith.constant 0 : i32
    %c0_i32_0 = arith.constant 0 : i32
    %c0_i32_1 = arith.constant 0 : i32
    return %arg1, %c0_i32, %c0_i32_0 : i32, i32, i32
  }
  func.func @transform_3(%arg0: i32, %arg1: i32) -> (i32, i32, i32) {
    %c0_i32 = arith.constant 0 : i32
    %c0_i32_0 = arith.constant 0 : i32
    %c0_i32_1 = arith.constant 0 : i32
    return %arg1, %c0_i32, %c0_i32_0 : i32, i32, i32
  }
  func.func @transform_4(%arg0: i32, %arg1: i32) -> (i32, i32, i32) {
    %c0_i32 = arith.constant 0 : i32
    %c0_i32_0 = arith.constant 0 : i32
    %c0_i32_1 = arith.constant 0 : i32
    %c0_i32_2 = arith.constant 0 : i32
    return %c0_i32, %c0_i32_0, %c0_i32_1 : i32, i32, i32
  }
  func.func @transform_5(%arg0: i32, %arg1: i32) -> (i32, i32, i32) {
    %c0_i32 = arith.constant 0 : i32
    %c0_i32_0 = arith.constant 0 : i32
    %c0_i32_1 = arith.constant 0 : i32
    %c0_i32_2 = arith.constant 0 : i32
    return %c0_i32, %c0_i32_0, %c0_i32_1 : i32, i32, i32
  }
  func.func @transform_6(%arg0: i32, %arg1: i32) -> (i32, i32, i32, i32) {
    %c0_i32 = arith.constant 0 : i32
    %c0_i32_0 = arith.constant 0 : i32
    %c0_i32_1 = arith.constant 0 : i32
    return %arg0, %arg1, %c0_i32, %c0_i32_0 : i32, i32, i32, i32
  }
  func.func @transform_7(%arg0: i32, %arg1: i32) -> (i32, i32, i32, i32) {
    %c0_i32 = arith.constant 0 : i32
    %c0_i32_0 = arith.constant 0 : i32
    %c0_i32_1 = arith.constant 0 : i32
    return %arg0, %arg1, %c0_i32, %c0_i32_0 : i32, i32, i32, i32
  }
  func.func @transform_8(%arg0: i32, %arg1: i32) -> (i32, i32, i32, i32) {
    %c0_i32 = arith.constant 0 : i32
    %c0_i32_0 = arith.constant 0 : i32
    %c0_i32_1 = arith.constant 0 : i32
    return %arg0, %arg1, %c0_i32, %c0_i32_0 : i32, i32, i32, i32
  }
  func.func @transform_9(%arg0: i32, %arg1: i32) -> (i32, i32, i32, i32) {
    %c0_i32 = arith.constant 0 : i32
    %c0_i32_0 = arith.constant 0 : i32
    %c0_i32_1 = arith.constant 0 : i32
    return %arg0, %arg1, %c0_i32, %c0_i32_0 : i32, i32, i32, i32
  }
}

</mosaic_0001>

<sc_bundles>
// kernel: sparse-core-data-format-call.1.cloned.1.call-start
scs
called_computation.1_lowered:
.L_overlay_start_0:
0x0: {  	s2 =	sld [smem:$0x3FD9]  }
0x1: {  	s3 =	sld [smem:$0x3FFE];
	_ =	sdelay $0x1  }
0x2: {  	s1 =	srdreg.scid  }
0x3: {  	s0 =	sand.u32 $0x1, s1  }
0x4: {  	s15 =	sshll.u32 s0, $0xA;
	s2 =	sadd.s32 s3, s2  }
0x5: {  	s2 =	sadd.s32 s2, s15  }
0x6: {  	[smem:$0x3FC3] =	sst s2  }
0x7: {  	_ = 	snop  }
0x8: {  	s2 =	sld [smem:$0x3FD0];
	_ =	sdelay $0x2  }
0x9: {  	s16 =	simm.s32 $0xB;
	s4 =	simm.s32 $0x10  }
0xa: {  	[smem:s4], [sflag:s16] =	dma.local [hbm:s2], $0x1  }
0xb: {  	_ =	swait.eq [sflag:s16], $0x1  }
0xc: {  	[sflag:s16] =	ssyncset.done $0x0  }
0xd: {  	[sflag:s16] =	ssyncadd.s32 $0xFFFFFFFF  }
0xe: {  	s17 =	sld [smem:$0x11];
	(tm) =	ssettm $0x1  }
0xf: {  	s18 =	sld [smem:$0x3FFB];
	_ =	sdelay $0x3  }
0x10: {  	_ =	strace s18  }
0x11: {  	s3 =	sld [smem:$0x3FFC];
	_ =	sdelay $0x3  }
0x12: {  	_ =	strace s3  }
0x13: {  	s3 =	sld [smem:$0x3FFD];
	_ =	sdelay $0x3  }
0x14: {  	_ =	strace s3  }
0x15: {  	_ =	strace $0x8FFFFFFF  }
0x16: {  	s19 =	sld [smem:$0x3FDB];
	_ =	sdelay $0x1  }
0x17: {  	s20 =	simm.s32 $_scs_section_size  }
0x18: {  	s5 =	simm.s32 $_size__tile_overlayer_lowered;
	s6 =	simm.s32 $_tile_overlayer_lowered  }
0x19: {  	s23 =	simm.s32 $0x1BFF;
	s22 =	sshll.u32 s6, $0x1;
	s3 =	sadd.s32 s20, s19  }
0x1a: {  	s7 =	simm.s32 $0x0;
	s21 =	sshll.u32 s5, $0x1;
	s5 =	sadd.s32 s22, s3  }
0x1b: {  	[timem:s7], [sflag:s23] =	dma.local [hbm:s5], s21  }
0x1c: {  	_ =	swait.ge [sflag:s23], s21  }
0x1d: {  	s4 =	ssub.s32 $0x0, s21;
	[sflag:s23] =	ssyncset.done $0x0  }
0x1e: {  	[sflag:s23] =	ssyncadd.s32 s4;
	_ =	sdelay $0x1  }
0x1f: {  	s24 =	simm.s32 $0x1B8B  }
0x20: {  	_ =	swait.ge [sflag:s24], $0x1  }
0x21: {  	[sflag:s24] =	ssyncset.done $0x0  }
0x22: {  	s26 =	simm.s32 $0x1B8E;
	s25 =	sld [smem:$0x3FFE];
	[sflag:s24] =	ssyncadd.s32 $0xFFFFFFFF  }
0x23: {  	s27 =	simm.s32 $execute0_lowered;
	[smem:$0x3FD2] =	sst s26  }
0x24: {  	s5 =	sshll.u32 s27, $0x1;
	_ =	strace $0x80000046;
	[dreg:$0x1] =	wrdreg $0xFFFFFFFF  }
0x25: {  	s28 =	simm.s32 $_size_execute0_lowered;
	s3 =	sadd.s32 s3, s5;
	[dreg:$0x0] =	wrdreg $0x0  }
0x26: {  	s5 =	sshll.u32 s28, $0x1;
	[dreg:$0x2] =	wrdreg s3  }
0x27: {  	[dreg:$0x3] =	wrdreg s5  }
0x28: {  	[dreg:$0x4] =	wrdreg $0xC0  }
0x29: {  	_ =	task [dreg:s7], $0x5FFFF  }
0x2a: {  	[dreg:$0x1] =	wrdreg $0xFFFFFFFF  }
0x2b: {  	[dreg:$0x0] =	wrdreg $0x60  }
0x2c: {  	[dreg:$0x2] =	wrdreg s25  }
0x2d: {  	[dreg:$0x3] =	wrdreg s17  }
0x2e: {  	[dreg:$0x4] =	wrdreg $0xA  }
0x2f: {  	_ =	task.clear_ibuf [dreg:s7], $0x5FFFF;
	_ =	strace $0x90000046  }
0x30: {  	s29 =	simm.s32 $0xA;
	_ =	strace $0x80000048  }
0x31: {  	_ =	swait.ge [sflag:s29], $0x1  }
0x32: {  	[sflag:s29] =	ssyncadd.s32 $0xFFFFFFFF  }
0x33: {  	_ =	strace $0x90000048  }
0x34: {  	_ =	sfence  }
0x35: {  	s30 =	sld [smem:$0x0];
	_ =	sdelay $0x2  }
0x36: {  	s31 =	sshll.u32 s1, $0xD;
	s1 =	sshrl.u32 s1, $0x2  }
0x37: {  	s3 =	sand.u32 $0x4000, s31;
	s1 =	sadd.s32 s1, s30  }
0x38: {  	s0 =	sor.u32 s3, s0;
	s1 =	sshll.u32 s1, $0x11  }
0x39: {  	s0 =	sor.u32 s1, s0  }
0x3a: {  	s0 =	sadd.s32 $0x8F2B, s0  }
0x3b: {  	[sflag:s0] =	ssyncadd.remote.s32 $0x1  }
0x3c: {  	_ =	sfence.sel $0xFFFF  }
0x3d: {  	[dreg:$0x0] =	wrdreg $0xFFFFFFFF;
	(pc) =	sbr.abs _section_cstart, $3  }
0x3e: {  	[dreg:$0x1] =	wrdreg $0xFFFFFFFF  }
0x3f: {  	_ =	task.clear_ibuf [dreg:s7], $0x2FFFF;
	_ =	strace $0x9FFFFFFF  }
0x40: {  	(tm) =	ssettm $0x7FFFFFFF  }
0x41: {  	_ =	shalt  }
tec
execute0_lowered:
.L_overlay_start_1:
0x0: {  	(tag) =	ssettag $0x1  }
0x1: {  	s5 =	rddreg [dreg:$0x0];
	s0 =	srdreg.scid  }
0x2: {  	s2 =	rddreg [dreg:$0x1];
	s1 =	stileid.u32  }
0x3: {  	s4 =	simm.s32 $0x1;
	s7 =	simm.s32 $0x2;
	s13 =	simm.s32 $0x0  }
0x4: {  	p0 =	por $0x0, $0x0;
	s14 =	simm.s32 $0x0;
	s12 =	simm.s32 $0x0  }
0x5: {  	s15 =	simm.s32 $0x0;
	s9 =	simm.s32 $0x0;
	s3 =	sshll.u32 s0, $0x4  }
.Ltmp0:
0x6: {  	s10 =	simm.s32 $0x0;
	s3 =	sand.u32 $0x10, s3;
	(pc) =	sbr.rel .LBB1_1-.Ltmp0, $4  }
0x7: {  	s0 =	rddreg [dreg:$0x2];
	_ =	strace $0x80000047;
	s3 =	sor.u32 s1, s3  }
0x8: {  	s11 =	simm.s32 $0x0;
	[sflag:s4] =	ssyncpa.u1 $0x0;
	s6 =	sshll.u32 s3, $0x4  }
0x9: {  	s8 =	simm.s32 $0x0;
	[sflag:s7] =	ssyncpa.u1 $0x0;
	s5 =	sadd.s32 s6, s5  }
0xa: {  	s7 =	simm.s32 $0x80;
	s6 =	sadd.s32 $0x1400, s2;
	s5 =	sadd.s32 $0x33A00, s5  }
.LBB1_7:
0xb: {  	s16 =	sadd.s32 $0x1, s9  }
0xc: {  	s12 =	sadd.s32 $0x40, s10;
	s17 =	smov.u32 s10;
	p2 =	sgt.s32 s16, $0x4  }
0xd: {  	s17 =	smov.u32 @p2 s12  }
0xe: {  	s18 =	smov.u32 s11;
	s12 =	sadd.s32 $0x2, s11;
	p3 =	sgt.s32 s17, $0x3F  }
0xf: {  	p1 =	slt.u32 s8, $0x2;
	s18 =	smov.u32 @p3 s12  }
0x10: {  	s8 =	sadd.s32 $0x1, s8;
	s16 =	simm.s32 @p2 $0x0;
	p2 =	sgt.s32 s18, $0x31  }
0x11: {  	s18 =	simm.s32 @p2 $0x0;
	p2 =	sne.s32 s8, $0x7F  }
.Ltmp1:
0x12: {  	s13 =	simm.s32 @!p1 $0x2;
	(pc) =	sbr.rel @!p2 .LBB1_8-.Ltmp1, $4  }
0x13: {  	s14 =	smov.u32 s9;
	s15 =	smov.u32 s11;
	_ =	swait.ge @!p1 [sflag:s13], $0x2000  }
0x14: {  	p0 =	por !p0, !p0;
	[sflag:s13] =	ssyncset.done @!p1 $0x0;
	s9 =	smov.u32 s16  }
0x15: {  	s17 =	simm.s32 @p3 $0x0;
	s12 =	smov.u32 s10;
	[sflag:s13] =	ssyncadd.s32 @!p1 $0xFFFFE000  }
0x16: {  	s13 =	smov.u32 s3;
	s10 =	smov.u32 s17;
	s11 =	smov.u32 s18  }
.LBB1_1:
0x17: {  	p1 =	sgt.u32 s8, $0x7C  }
0x18: {  	s16 =	smul.u32 @!p1 $0x28000, s11  }
0x19: {  	s17 =	sxor.u32 @!p1 $0xFFFFFFFF, s8;
	s18 =	smul.u32 @!p1 $0xA00, s10  }
0x1a: {  	s17 =	sshll.u32 @!p1 s17, $0xD;
	s16 =	sadd.s32 @!p1 s16, s5  }
0x1b: {  	s19 =	sshll.u32 @!p1 s9, $0x9;
	s17 =	sand.u32 @!p1 $0x2000, s17;
	s16 =	sadd.s32 @!p1 s18, s16  }
0x1c: {  	s18 =	simm.s32 @!p1 $0x40;
	s16 =	sadd.s32 @!p1 s19, s16;
	s19 =	simm.s32 @!p1 $0x5000  }
0x1d: {  	[tilespmem:s17], [sflag:$0x1] =	stream.strided.gather @!p1 [hbm4b:s16+s18], $0x2000, s19, s18, $0x38;
	[tilespmem:$0x8100] =	vst v63  }
0x1e: {  	p1 =	seq.s32 s8, $0x0  }
0x1f: {  	p2 =	seq.s32 @!p1 s8, $0x7E  }
0x20: {  	p1 =	por p1, p2  }
.Ltmp2:
0x21: {  	_ = 	snop;
	(pc) =	sbr.rel @p1 .LBB1_7-.Ltmp2, $1  }
0x22: {  	_ =	sdelay $0x3  }
0x23: {  	s16 =	simm.s32 $0x1;
	s18 =	sand.u32 $0x1, s8  }
0x24: {  	_ =	swait.ge [sflag:s4], $0x2000;
	s16 =	simm.s32 @!p0 $0x0;
	s18 =	smul.u32 $0x8200, s18  }
0x25: {  	s20 =	simm.s32 $0x0;
	[sflag:s4] =	ssyncset.done $0x0;
	s17 =	smul.u32 $0x8200, s16  }
0x26: {  	p2 =	por $0x1, $0x1;
	s19 =	sshll.u32 s16, $0xF;
	[sflag:s4] =	ssyncadd.s32 $0xFFFFE000  }
0x27: {  	s16 =	sshrl.u32 s18, $0x2;
	s19 =	sshrl.u32 s19, $0x2;
	s31 =	sshrl.u32 s17, $0x2  }
0x28: {  	s17 =	sor.u32 $0x4000, s16;
	s19 =	sadd.s32 $0x20, s19;
	s18 =	sor.u32 $0x4000, s31  }
.LBB1_3:
0x29: {  	s21 =	sshll.u32 s20, $0xC  }
0x2a: {  	s21 =	sand.u32 $0x3FFFF000, s21  }
0x2b: {  	s23 =	sadd.s32 s21, s19  }
0x2c: {  	s31 =	smul.u32 $0x4100, s20;
	v3 =	vld [tilespmem:s23+$0x10]  }
0x2d: {  	v1 =	vld [tilespmem:s23+$0xFFFFFFF0]  }
0x2e: {  	s20 =	sshra.s32 s31, $0x2;
	v0 =	vld [tilespmem:s23+$0x0]  }
0x2f: {  	s20 =	sadd.s32 s20, s18;
	v2 =	vld [tilespmem:s23+$0xFFFFFFE0]  }
0x30: {  	s21 =	sadd.s32 $0x0, s20  }
0x31: {  	p1 =	por p2, p2;
	s22 =	simm.s32 $0x4;
	s23 =	sadd.s32 $0x40, s23;
	[tilespmem:s21+$0xC30 ss:$0x41] =	vst.msk $0xffff, v3  }
.LBB1_4:
0x32: {  	v3 =	vld [tilespmem:s23+$0x10];
	p2 =	sne.s32 s22, $0xFC;
	[tilespmem:s21+$0x410 ss:$0x41] =	vst.msk $0xffff, v1;
	s24 =	smov.u32 s22;
	s22 =	sadd.s32 $0x4, s22  }
.Ltmp3:
0x33: {  	v1 =	vld [tilespmem:s23+$0xFFFFFFF0];
	[tilespmem:s21+$0x820 ss:$0x41] =	vst.msk $0xffff, v0;
	(pc) =	sbr.rel @p2 .LBB1_4-.Ltmp3, $4  }
0x34: {  	v0 =	vld [tilespmem:s23+$0x0];
	[tilespmem:s21+$0x0 ss:$0x41] =	vst.msk $0xffff, v2  }
0x35: {  	s21 =	sshra.s32 s24, $0x2;
	v2 =	vld [tilespmem:s23+$0xFFFFFFE0]  }
0x36: {  	s21 =	sadd.s32 s21, s20  }
0x37: {  	s23 =	sadd.s32 $0x40, s23;
	[tilespmem:s21+$0xC30 ss:$0x41] =	vst.msk $0xffff, v3  }
.Ltmp4:
0x38: {  	(pc) =	sbr.rel @p1 .LBB1_3-.Ltmp4, $4  }
0x39: {  	_ = 	snop  }
0x3a: {  	[tilespmem:s21+$0x410 ss:$0x41] =	vst.msk $0xffff, v1  }
0x3b: {  	[tilespmem:s21+$0x820 ss:$0x41] =	vst.msk $0xffff, v0  }
0x3c: {  	s20 =	simm.s32 $0x1;
	p2 =	por $0x0, $0x0;
	[tilespmem:s21+$0x0 ss:$0x41] =	vst.msk $0xffff, v2  }
0x3d: {  	s15 =	smul.u32 $0x1400, s15  }
0x3e: {  	s14 =	sshll.u32 s14, $0xA;
	s18 =	sand.u32 $0x380, s12;
	s13 =	smul.u32 $0x3E800, s13  }
0x3f: {  	s20 =	sshrl.u32 s12, $0x3;
	s30 =	sand.u32 $0x7, s12;
	s19 =	sadd.s32 s15, s14  }
0x40: {  	s20 =	sand.u32 $0xF, s20;
	s15 =	sadd.s32 s15, s6;
	s19 =	sadd.s32 s2, s19  }
0x41: {  	s12 =	sshll.u32 s30, $0x12;
	s15 =	sadd.s32 s18, s15;
	s19 =	sadd.s32 s18, s19  }
.Ltmp5:
0x42: {  	s14 =	sadd.s32 s14, s15;
	s19 =	sadd.s32 s20, s19;
	(pc) =	sbr.rel .LBB1_7-.Ltmp5, $4  }
0x43: {  	s12 =	sor.u32 $0x40, s12;
	s14 =	sadd.s32 s20, s14;
	s19 =	sadd.s32 s13, s19  }
0x44: {  	[hbm4b:s19+s12] =	stream.strided.scatter [tilespmem:s17], [sflag:$0x2], $0x1000, s7, s12, $0x18;
	[tilespmem:$0x8100] =	vst v63  }
0x45: {  	s31 =	sadd.s32 $0x5040, s16;
	s13 =	sadd.s32 s13, s14  }
0x46: {  	[hbm4b:s13+s12] =	stream.strided.scatter [tilespmem:s31], [sflag:$0x2], $0x1000, s7, s12, $0x18;
	[tilespmem:$0x8100] =	vst v63  }
.LBB1_8:
0x47: {  	_ =	sfence.sel $0x180000  }
0x48: {  	s2 =	simm.s32 $0x1;
	[bflag:$0x0] =	sbarrier.arrive $0xFFFF  }
0x49: {  	s31 =	simm.s32 $0x2;
	[sflag:s2] =	ssyncpa.u1 $0x1  }
0x4a: {  	[sflag:s31] =	ssyncpa.u1 $0x1  }
0x4b: {  	p0 =	sne.s32 s1, $0x0;
	_ =	strace $0x90000047  }
0x4c: {  	s0 =	sadd.s32 @!p0 $0x100000, s0;
	[bflag:$0x2] =	sbarrier.arrive $0xFFFF  }
0x4d: {  	[sflag:s0] =	ssyncadd.tile.s32 @!p0 $0x1;
	_ =	shalt  }
.Lfunc_end1:
_tile_overlayer_lowered:
.L_overlay_start_2:
0x4e: {  	(tag) =	ssettag $0x2  }
0x4f: {  	s0 =	rddreg [dreg:$0x0];
	s2 =	stileid.u32  }
0x50: {  	s1 =	rddreg [dreg:$0x1];
	p0 =	sne.s32 s2, $0x0  }
0x51: {  	s3 =	rddreg [dreg:$0x2];
	[bflag:$0x3] =	sbarrier.arrive $0xFFFF;
	s2 =	simm.s32 @!p0 $0x1C01  }
0x52: {  	[timem:s3], [sflag:s2] =	dma.local @!p0 [hbm:s0], s1  }
0x53: {  	s0 =	simm.s32 @!p0 $0x1  }
0x54: {  	_ =	swait.ge @!p0 [sflag:s0], s1  }
0x55: {  	s1 =	ssub.s32 @!p0 $0x0, s1;
	[sflag:s0] =	ssyncset.done @!p0 $0x0  }
0x56: {  	[sflag:s0] =	ssyncadd.s32 @!p0 s1  }
0x57: {  	[bflag:$0x3] =	sbarrier.arrive $0xFFFF  }
0x58: {  	_ =	shalt  }

// kernel: sparse-core-data-format-call.cloned.1.call-start
scs
called_computation_lowered:
.L_overlay_start_0:
0x0: {  	s2 =	sld [smem:$0x3FD9]  }
0x1: {  	s3 =	sld [smem:$0x3FFE];
	_ =	sdelay $0x1  }
0x2: {  	s1 =	srdreg.scid  }
0x3: {  	s0 =	sand.u32 $0x1, s1  }
0x4: {  	s16 =	sshll.u32 s0, $0xA;
	s2 =	sadd.s32 s3, s2  }
0x5: {  	s2 =	sadd.s32 s2, s16  }
0x6: {  	[smem:$0x3FC3] =	sst s2  }
0x7: {  	_ = 	snop  }
0x8: {  	s2 =	sld [smem:$0x3FD0];
	_ =	sdelay $0x2  }
0x9: {  	s17 =	simm.s32 $0xB;
	s4 =	simm.s32 $0x10  }
0xa: {  	[smem:s4], [sflag:s17] =	dma.local [hbm:s2], $0x1  }
0xb: {  	_ =	swait.eq [sflag:s17], $0x1  }
0xc: {  	[sflag:s17] =	ssyncset.done $0x0  }
0xd: {  	[sflag:s17] =	ssyncadd.s32 $0xFFFFFFFF  }
0xe: {  	s18 =	sld [smem:$0x13];
	(tm) =	ssettm $0x1  }
0xf: {  	s19 =	sld [smem:$0x3FFB];
	_ =	sdelay $0x3  }
0x10: {  	_ =	strace s19  }
0x11: {  	s2 =	sld [smem:$0x3FFC];
	_ =	sdelay $0x3  }
0x12: {  	_ =	strace s2  }
0x13: {  	s2 =	sld [smem:$0x3FFD];
	_ =	sdelay $0x3  }
0x14: {  	_ =	strace s2  }
0x15: {  	_ =	strace $0x8FFFFFFF  }
0x16: {  	s20 =	sld [smem:$0x3FDB];
	_ =	sdelay $0x1  }
0x17: {  	s21 =	simm.s32 $_scs_section_size  }
0x18: {  	s5 =	simm.s32 $_size__tile_overlayer_lowered;
	s6 =	simm.s32 $_tile_overlayer_lowered  }
0x19: {  	s7 =	simm.s32 $0x1BFF;
	s22 =	sshll.u32 s6, $0x1;
	s4 =	sadd.s32 s21, s20  }
0x1a: {  	s23 =	simm.s32 $0x0;
	s5 =	sshll.u32 s5, $0x1;
	s6 =	sadd.s32 s22, s4  }
0x1b: {  	[timem:s23], [sflag:s7] =	dma.local [hbm:s6], s5  }
0x1c: {  	_ =	swait.ge [sflag:s7], s5  }
0x1d: {  	s5 =	ssub.s32 $0x0, s5;
	[sflag:s7] =	ssyncset.done $0x0  }
0x1e: {  	[sflag:s7] =	ssyncadd.s32 s5;
	_ =	sdelay $0x1  }
0x1f: {  	s24 =	simm.s32 $0x1B8B  }
0x20: {  	_ =	swait.ge [sflag:s24], $0x1  }
0x21: {  	[sflag:s24] =	ssyncset.done $0x0  }
0x22: {  	[sflag:s24] =	ssyncadd.s32 $0xFFFFFFFF  }
0x23: {  	s5 =	sld [smem:$0x0]  }
0x24: {  	s6 =	sand.u32 $0xFFFFFFFE, s1  }
0x25: {  	p0 =	sne.s32 s1, s6  }
0x26: {  	s6 =	sshll.u32 @p0 s6, $0xE  }
0x27: {  	s6 =	sadd.s32 @p0 $0x11B8D, s6;
	s7 =	sshll.u32 @p0 s5, $0x11  }
0x28: {  	s6 =	sor.u32 @p0 s7, s6  }
0x29: {  	[sflag:s6] =	ssyncadd.remote.s32 @p0 $0x1;
	_ =	sdelay $0x1  }
0x2a: {  	s6 =	simm.s32 @p0 $0x1B8D  }
0x2b: {  	_ =	swait.eq @p0 [sflag:s6], $0x1  }
0x2c: {  	[sflag:s6] =	ssyncadd.s32 @p0 $0xFFFFFFFF  }
0x2d: {  	s7 =	sshll.u32 @!p0 s1, $0xE  }
0x2e: {  	s7 =	sor.u32 @!p0 $0x4000, s7;
	s6 =	simm.s32 @!p0 $0x1B8D  }
0x2f: {  	s5 =	sshll.u32 @!p0 s5, $0x11;
	s7 =	sadd.s32 @!p0 $0x11B8D, s7;
	_ =	swait.eq @!p0 [sflag:s6], $0x1  }
0x30: {  	s5 =	sor.u32 @!p0 s5, s7;
	[sflag:s6] =	ssyncadd.s32 @!p0 $0xFFFFFFFF  }
0x31: {  	s26 =	simm.s32 $0x1B8E;
	s25 =	sld [smem:$0x3FFE];
	[sflag:s5] =	ssyncadd.remote.s32 @!p0 $0x1  }
0x32: {  	s27 =	simm.s32 $execute0_lowered;
	[smem:$0x3FD2] =	sst s26  }
0x33: {  	s6 =	sshll.u32 s27, $0x1;
	_ =	strace $0x80000049;
	[dreg:$0x1] =	wrdreg $0xFFFFFFFF  }
0x34: {  	s28 =	simm.s32 $_size_execute0_lowered;
	s4 =	sadd.s32 s4, s6;
	[dreg:$0x0] =	wrdreg $0x0  }
0x35: {  	s6 =	sshll.u32 s28, $0x1;
	[dreg:$0x2] =	wrdreg s4  }
0x36: {  	[dreg:$0x3] =	wrdreg s6  }
0x37: {  	[dreg:$0x4] =	wrdreg $0xC0  }
0x38: {  	_ =	task [dreg:s23], $0x5FFFF  }
0x39: {  	[dreg:$0x1] =	wrdreg $0xFFFFFFFF  }
0x3a: {  	[dreg:$0x0] =	wrdreg $0x60  }
0x3b: {  	[dreg:$0x2] =	wrdreg s25  }
0x3c: {  	[dreg:$0x3] =	wrdreg s18  }
0x3d: {  	[dreg:$0x4] =	wrdreg $0x9  }
0x3e: {  	_ =	task.clear_ibuf [dreg:s23], $0x5FFFF;
	_ =	strace $0x90000049  }
0x3f: {  	s29 =	simm.s32 $0x9;
	_ =	strace $0x8000004B  }
0x40: {  	_ =	swait.ge [sflag:s29], $0x1  }
0x41: {  	[sflag:s29] =	ssyncadd.s32 $0xFFFFFFFF  }
0x42: {  	_ =	strace $0x9000004B  }
0x43: {  	_ =	sfence  }
0x44: {  	s30 =	sld [smem:$0x0];
	_ =	sdelay $0x2  }
0x45: {  	s31 =	sshll.u32 s1, $0xD;
	s1 =	sshrl.u32 s1, $0x2  }
0x46: {  	s4 =	sand.u32 $0x4000, s31;
	s1 =	sadd.s32 s1, s30  }
0x47: {  	s0 =	sor.u32 s4, s0;
	s1 =	sshll.u32 s1, $0x11  }
0x48: {  	s0 =	sor.u32 s1, s0  }
0x49: {  	s0 =	sadd.s32 $0x8F2B, s0  }
0x4a: {  	[sflag:s0] =	ssyncadd.remote.s32 $0x1  }
0x4b: {  	_ =	sfence.sel $0xFFFF  }
0x4c: {  	[dreg:$0x0] =	wrdreg $0xFFFFFFFF;
	(pc) =	sbr.abs _section_cstart, $3  }
0x4d: {  	[dreg:$0x1] =	wrdreg $0xFFFFFFFF  }
0x4e: {  	_ =	task.clear_ibuf [dreg:s23], $0x2FFFF;
	_ =	strace $0x9FFFFFFF  }
0x4f: {  	(tm) =	ssettm $0x7FFFFFFF  }
tec
execute0_lowered:
.L_overlay_start_1:
0x0: {  	(tag) =	ssettag $0x1  }
0x1: {  	s5 =	rddreg [dreg:$0x0];
	s0 =	srdreg.scid  }
0x2: {  	s2 =	rddreg [dreg:$0x1];
	s1 =	stileid.u32  }
0x3: {  	s4 =	simm.s32 $0x1;
	s7 =	simm.s32 $0x2;
	s13 =	simm.s32 $0x0  }
0x4: {  	p0 =	por $0x0, $0x0;
	s14 =	simm.s32 $0x0;
	s12 =	simm.s32 $0x0  }
0x5: {  	s15 =	simm.s32 $0x0;
	s9 =	simm.s32 $0x0;
	s3 =	sshll.u32 s0, $0x4  }
.Ltmp0:
0x6: {  	s10 =	simm.s32 $0x0;
	s3 =	sand.u32 $0x10, s3;
	(pc) =	sbr.rel .LBB1_1-.Ltmp0, $4  }
0x7: {  	s0 =	rddreg [dreg:$0x2];
	_ =	strace $0x8000004A;
	s3 =	sor.u32 s1, s3  }
0x8: {  	s11 =	simm.s32 $0x0;
	[sflag:s4] =	ssyncpa.u1 $0x0;
	s6 =	sshll.u32 s3, $0x4  }
0x9: {  	s8 =	simm.s32 $0x0;
	[sflag:s7] =	ssyncpa.u1 $0x0;
	s5 =	sadd.s32 s6, s5  }
0xa: {  	s7 =	simm.s32 $0x80;
	s6 =	sadd.s32 $0x1400, s2;
	s5 =	sadd.s32 $0x803A00, s5  }
.LBB1_7:
0xb: {  	s16 =	sadd.s32 $0x1, s9  }
0xc: {  	s12 =	sadd.s32 $0x40, s10;
	s17 =	smov.u32 s10;
	p2 =	sgt.s32 s16, $0x4  }
0xd: {  	s17 =	smov.u32 @p2 s12  }
0xe: {  	s18 =	smov.u32 s11;
	s12 =	sadd.s32 $0x2, s11;
	p3 =	sgt.s32 s17, $0x3F  }
0xf: {  	p1 =	slt.u32 s8, $0x2;
	s18 =	smov.u32 @p3 s12  }
0x10: {  	s8 =	sadd.s32 $0x1, s8;
	s16 =	simm.s32 @p2 $0x0;
	p2 =	sgt.s32 s18, $0x31  }
0x11: {  	s18 =	simm.s32 @p2 $0x0;
	p2 =	sne.s32 s8, $0x7F  }
.Ltmp1:
0x12: {  	s13 =	simm.s32 @!p1 $0x2;
	(pc) =	sbr.rel @!p2 .LBB1_8-.Ltmp1, $4  }
0x13: {  	s14 =	smov.u32 s9;
	s15 =	smov.u32 s11;
	_ =	swait.ge @!p1 [sflag:s13], $0x2000  }
0x14: {  	p0 =	por !p0, !p0;
	[sflag:s13] =	ssyncset.done @!p1 $0x0;
	s9 =	smov.u32 s16  }
0x15: {  	s17 =	simm.s32 @p3 $0x0;
	s12 =	smov.u32 s10;
	[sflag:s13] =	ssyncadd.s32 @!p1 $0xFFFFE000  }
0x16: {  	s13 =	smov.u32 s3;
	s10 =	smov.u32 s17;
	s11 =	smov.u32 s18  }
.LBB1_1:
0x17: {  	p1 =	sgt.u32 s8, $0x7C  }
0x18: {  	s16 =	smul.u32 @!p1 $0x28000, s11  }
0x19: {  	s17 =	sxor.u32 @!p1 $0xFFFFFFFF, s8;
	s18 =	smul.u32 @!p1 $0xA00, s10  }
0x1a: {  	s17 =	sshll.u32 @!p1 s17, $0xD;
	s16 =	sadd.s32 @!p1 s16, s5  }
0x1b: {  	s19 =	sshll.u32 @!p1 s9, $0x9;
	s17 =	sand.u32 @!p1 $0x2000, s17;
	s16 =	sadd.s32 @!p1 s18, s16  }
0x1c: {  	s18 =	simm.s32 @!p1 $0x40;
	s16 =	sadd.s32 @!p1 s19, s16;
	s19 =	simm.s32 @!p1 $0x5000  }
0x1d: {  	[tilespmem:s17], [sflag:$0x1] =	stream.strided.gather @!p1 [hbm4b:s16+s18], $0x2000, s19, s18, $0x38;
	[tilespmem:$0x8100] =	vst v63  }
0x1e: {  	p1 =	seq.s32 s8, $0x0  }
0x1f: {  	p2 =	seq.s32 @!p1 s8, $0x7E  }
0x20: {  	p1 =	por p1, p2  }
.Ltmp2:
0x21: {  	_ = 	snop;
	(pc) =	sbr.rel @p1 .LBB1_7-.Ltmp2, $1  }
0x22: {  	_ =	sdelay $0x3  }
0x23: {  	s16 =	simm.s32 $0x1;
	s18 =	sand.u32 $0x1, s8  }
0x24: {  	_ =	swait.ge [sflag:s4], $0x2000;
	s16 =	simm.s32 @!p0 $0x0;
	s18 =	smul.u32 $0x8200, s18  }
0x25: {  	s20 =	simm.s32 $0x0;
	[sflag:s4] =	ssyncset.done $0x0;
	s17 =	smul.u32 $0x8200, s16  }
0x26: {  	p2 =	por $0x1, $0x1;
	s19 =	sshll.u32 s16, $0xF;
	[sflag:s4] =	ssyncadd.s32 $0xFFFFE000  }
0x27: {  	s16 =	sshrl.u32 s18, $0x2;
	s19 =	sshrl.u32 s19, $0x2;
	s31 =	sshrl.u32 s17, $0x2  }
0x28: {  	s17 =	sor.u32 $0x4000, s16;
	s19 =	sadd.s32 $0x20, s19;
	s18 =	sor.u32 $0x4000, s31  }
.LBB1_3:
0x29: {  	s21 =	sshll.u32 s20, $0xC  }
0x2a: {  	s21 =	sand.u32 $0x3FFFF000, s21  }
0x2b: {  	s23 =	sadd.s32 s21, s19  }
0x2c: {  	s31 =	smul.u32 $0x4100, s20;
	v3 =	vld [tilespmem:s23+$0x10]  }
0x2d: {  	v1 =	vld [tilespmem:s23+$0xFFFFFFF0]  }
0x2e: {  	s20 =	sshra.s32 s31, $0x2;
	v0 =	vld [tilespmem:s23+$0x0]  }
0x2f: {  	s20 =	sadd.s32 s20, s18;
	v2 =	vld [tilespmem:s23+$0xFFFFFFE0]  }
0x30: {  	s21 =	sadd.s32 $0x0, s20  }
0x31: {  	p1 =	por p2, p2;
	s22 =	simm.s32 $0x4;
	s23 =	sadd.s32 $0x40, s23;
	[tilespmem:s21+$0xC30 ss:$0x41] =	vst.msk $0xffff, v3  }
.LBB1_4:
0x32: {  	v3 =	vld [tilespmem:s23+$0x10];
	p2 =	sne.s32 s22, $0xFC;
	[tilespmem:s21+$0x410 ss:$0x41] =	vst.msk $0xffff, v1;
	s24 =	smov.u32 s22;
	s22 =	sadd.s32 $0x4, s22  }
.Ltmp3:
0x33: {  	v1 =	vld [tilespmem:s23+$0xFFFFFFF0];
	[tilespmem:s21+$0x820 ss:$0x41] =	vst.msk $0xffff, v0;
	(pc) =	sbr.rel @p2 .LBB1_4-.Ltmp3, $4  }
0x34: {  	v0 =	vld [tilespmem:s23+$0x0];
	[tilespmem:s21+$0x0 ss:$0x41] =	vst.msk $0xffff, v2  }
0x35: {  	s21 =	sshra.s32 s24, $0x2;
	v2 =	vld [tilespmem:s23+$0xFFFFFFE0]  }
0x36: {  	s21 =	sadd.s32 s21, s20  }
0x37: {  	s23 =	sadd.s32 $0x40, s23;
	[tilespmem:s21+$0xC30 ss:$0x41] =	vst.msk $0xffff, v3  }
.Ltmp4:
0x38: {  	(pc) =	sbr.rel @p1 .LBB1_3-.Ltmp4, $4  }
0x39: {  	_ = 	snop  }
0x3a: {  	[tilespmem:s21+$0x410 ss:$0x41] =	vst.msk $0xffff, v1  }
0x3b: {  	[tilespmem:s21+$0x820 ss:$0x41] =	vst.msk $0xffff, v0  }
0x3c: {  	s20 =	simm.s32 $0x1;
	p2 =	por $0x0, $0x0;
	[tilespmem:s21+$0x0 ss:$0x41] =	vst.msk $0xffff, v2  }
0x3d: {  	s15 =	smul.u32 $0x1400, s15  }
0x3e: {  	s14 =	sshll.u32 s14, $0xA;
	s18 =	sand.u32 $0x380, s12;
	s13 =	smul.u32 $0x3E800, s13  }
0x3f: {  	s20 =	sshrl.u32 s12, $0x3;
	s30 =	sand.u32 $0x7, s12;
	s19 =	sadd.s32 s15, s14  }
0x40: {  	s20 =	sand.u32 $0xF, s20;
	s15 =	sadd.s32 s15, s6;
	s19 =	sadd.s32 s2, s19  }
0x41: {  	s12 =	sshll.u32 s30, $0x12;
	s15 =	sadd.s32 s18, s15;
	s19 =	sadd.s32 s18, s19  }
.Ltmp5:
0x42: {  	s14 =	sadd.s32 s14, s15;
	s19 =	sadd.s32 s20, s19;
	(pc) =	sbr.rel .LBB1_7-.Ltmp5, $4  }
0x43: {  	s12 =	sor.u32 $0x40, s12;
	s14 =	sadd.s32 s20, s14;
	s19 =	sadd.s32 s13, s19  }
0x44: {  	[hbm4b:s19+s12] =	stream.strided.scatter [tilespmem:s17], [sflag:$0x2], $0x1000, s7, s12, $0x18;
	[tilespmem:$0x8100] =	vst v63  }
0x45: {  	s31 =	sadd.s32 $0x5040, s16;
	s13 =	sadd.s32 s13, s14  }
0x46: {  	[hbm4b:s13+s12] =	stream.strided.scatter [tilespmem:s31], [sflag:$0x2], $0x1000, s7, s12, $0x18;
	[tilespmem:$0x8100] =	vst v63  }
.LBB1_8:
0x47: {  	_ =	sfence.sel $0x180000  }
0x48: {  	s2 =	simm.s32 $0x1;
	[bflag:$0x0] =	sbarrier.arrive $0xFFFF  }
0x49: {  	s31 =	simm.s32 $0x2;
	[sflag:s2] =	ssyncpa.u1 $0x1  }
0x4a: {  	[sflag:s31] =	ssyncpa.u1 $0x1  }
0x4b: {  	p0 =	sne.s32 s1, $0x0;
	_ =	strace $0x9000004A  }
0x4c: {  	s0 =	sadd.s32 @!p0 $0x100000, s0;
	[bflag:$0x2] =	sbarrier.arrive $0xFFFF  }
0x4d: {  	[sflag:s0] =	ssyncadd.tile.s32 @!p0 $0x1;
	_ =	shalt  }
.Lfunc_end1:
_tile_overlayer_lowered:
.L_overlay_start_2:
0x4e: {  	(tag) =	ssettag $0x2  }
0x4f: {  	s0 =	rddreg [dreg:$0x0];
	s2 =	stileid.u32  }
0x50: {  	s1 =	rddreg [dreg:$0x1];
	p0 =	sne.s32 s2, $0x0  }
0x51: {  	s3 =	rddreg [dreg:$0x2];
	[bflag:$0x3] =	sbarrier.arrive $0xFFFF;
	s2 =	simm.s32 @!p0 $0x1C01  }
0x52: {  	[timem:s3], [sflag:s2] =	dma.local @!p0 [hbm:s0], s1  }
0x53: {  	s0 =	simm.s32 @!p0 $0x1  }
0x54: {  	_ =	swait.ge @!p0 [sflag:s0], s1  }
0x55: {  	s1 =	ssub.s32 @!p0 $0x0, s1;
	[sflag:s0] =	ssyncset.done @!p0 $0x0  }
0x56: {  	[sflag:s0] =	ssyncadd.s32 @!p0 s1  }
0x57: {  	[bflag:$0x3] =	sbarrier.arrive $0xFFFF  }
0x58: {  	_ =	shalt  }

</sc_bundles>
